<compile_context>
chip_gen: v7x
topology: tpu7x:2x2x1
jax: 0.10.2.dev20260603
libtpu: 0.0.44.dev20260713+nightly
codegen_flags: <defaults>
</compile_context>

<pallas_src>
import functools

import jax
import jax.numpy as jnp
from jax import lax
from jax.experimental import pallas as pl
from jax.experimental.pallas import tpu as pltpu
from jax.experimental.pallas import tpu_sc as plsc

_N = 262144
_D = 64
_NC = 2
_NS = 16
_L = 16


def _build(n, d):
    nw = _NC * _NS
    chunk = n // nw
    blk = _L
    nb = n // blk
    cb_w = nb // nw
    uc = 128
    rounds = chunk // uc
    csteps = max(1, nb.bit_length() - 1)

    mesh = plsc.VectorSubcoreMesh(
        core_axis_name="c", subcore_axis_name="s",
        num_cores=_NC, num_subcores=_NS)

    def wid():
        return lax.axis_index("s") * _NC + lax.axis_index("c")

    @functools.partial(
        pl.kernel,
        out_type=jax.ShapeDtypeStruct((nb,), jnp.float32),
        mesh=mesh,
        scratch_types=[pltpu.VMEM((chunk,), jnp.float32),
                       pltpu.VMEM((cb_w,), jnp.float32)],
        compiler_params=pltpu.CompilerParams(needs_layout_passes=False,
                                             use_tc_tiling_on_sc=False),
    )
    def coarse_kernel(cdf_hbm, co_hbm, cdf_v, co_v):
        w = wid()
        pltpu.sync_copy(cdf_hbm.at[pl.ds(w * chunk, chunk)], cdf_v)
        iota = lax.iota(jnp.int32, _L)
        def co(g, _):
            idx = (iota + g * _L) * blk + (blk - 1)
            co_v[pl.ds(g * _L, _L)] = plsc.load_gather(cdf_v, [idx])
            return 0
        lax.fori_loop(0, cb_w // _L, co, 0)
        pltpu.sync_copy(co_v, co_hbm.at[pl.ds(w * cb_w, cb_w)])

    @functools.partial(
        pl.kernel,
        out_type=jax.ShapeDtypeStruct((n, d), jnp.float32),
        mesh=mesh,
        scratch_types=[pltpu.VMEM((chunk,), jnp.float32),
                       pltpu.VMEM((nb,), jnp.float32),
                       pltpu.VMEM((chunk,), jnp.int32),
                       pltpu.VMEM((chunk,), jnp.int32),
                       pltpu.VMEM((uc, blk), jnp.float32),
                       pltpu.VMEM((2, uc, d), jnp.float32),
                       pltpu.SemaphoreType.DMA,
                       pltpu.SemaphoreType.DMA],
        compiler_params=pltpu.CompilerParams(needs_layout_passes=False,
                                             use_tc_tiling_on_sc=False),
    )
    def resample_kernel(part_hbm, u_hbm, cdf2_hbm, co_hbm, out_hbm,
                        u_v, co_v, bidx_v, fidx_v, fine_v, rows_v,
                        fsem, rsem):
        w = wid()
        pltpu.sync_copy(u_hbm.at[pl.ds(w * chunk, chunk)], u_v)
        pltpu.sync_copy(co_hbm, co_v)
        iota = lax.iota(jnp.int32, _L)
        def cg(g, _):
            u16 = u_v[pl.ds(g * _L, _L)]
            pos = jnp.zeros((_L,), jnp.int32)
            for sstep in [1 << (csteps - 1 - j) for j in range(csteps)]:
                val = plsc.load_gather(co_v, [pos + (sstep - 1)])
                pos = pos + jnp.where(val < u16, sstep, 0)
            bidx_v[pl.ds(g * _L, _L)] = jnp.minimum(pos, nb - 1)
            return 0
        lax.fori_loop(0, chunk // _L, cg, 0)
        def fine_round(k, _):
            pltpu.async_copy(
                cdf2_hbm.at[bidx_v.at[pl.ds(k * uc, uc)]], fine_v, fsem
            ).wait()
            def fg(g2, _):
                base = g2 * _L
                u16 = u_v[pl.ds(k * uc + base, _L)]
                b16 = bidx_v[pl.ds(k * uc + base, _L)]
                rows = iota + base
                cpos = jnp.zeros((_L,), jnp.int32)
                for sstep in (8, 4, 2, 1):
                    val = plsc.load_gather(fine_v, [rows, cpos + (sstep - 1)])
                    cpos = cpos + jnp.where(val < u16, sstep, 0)
                fidx_v[pl.ds(k * uc + base, _L)] = jnp.minimum(
                    b16 * blk + cpos, n - 1)
                return 0
            lax.fori_loop(0, uc // _L, fg, 0)
            return 0
        lax.fori_loop(0, rounds, fine_round, 0)
        def grow(kk, _):
            for b in range(2):
                k = kk * 2 + b
                pltpu.async_copy(
                    part_hbm.at[fidx_v.at[pl.ds(k * uc, uc)]],
                    rows_v.at[b], rsem).wait()
                pltpu.sync_copy(rows_v.at[b],
                                out_hbm.at[pl.ds(w * chunk + k * uc, uc)])
            return 0
        lax.fori_loop(0, rounds // 2, grow, 0)

    def run(particles, log_weights, uniforms):
        norm_lw = log_weights - jax.scipy.special.logsumexp(log_weights)
        weights = jnp.exp(norm_lw)
        cdf = jnp.cumsum(weights)
        cdf = cdf / cdf[-1]
        coarse = coarse_kernel(cdf)
        return resample_kernel(particles, uniforms,
                               cdf.reshape(nb, blk), coarse)

    return run


_run = None


def kernel(particles, log_weights, uniforms):
    global _run
    if _run is None:
        _run = _build(_N, _D)
    return _run(particles, log_weights, uniforms)

# --- scband reference (transcript-rebuilt; emitter-appended) ---
"""Pipeline reference for scband-particle-approximation-89842125898277 (READ-ONLY COPY).

The authoritative reference and input builder live on the scoring server;
editing this copy changes nothing except your own understanding.
"""

import jax, jax.numpy as jnp
import numpy as np

N = 262144
D = 64

def setup_inputs(seed: int = 0) -> dict:
    key = jax.random.key(seed)
    k1, k2, k3 = jax.random.split(key, 3)
    particles = jax.random.normal(k1, (N, D), dtype=jnp.float32)
    log_weights = jax.random.normal(k2, (N,), dtype=jnp.float32)
    uniforms = jax.random.uniform(k3, (N,), dtype=jnp.float32)
    return {"particles": particles, "log_weights": log_weights, "uniforms": uniforms}

def reference(particles, log_weights, uniforms):
    # ParticleApproximation.normalize(): subtract logsumexp
    norm_lw = log_weights - jax.scipy.special.logsumexp(log_weights)
    weights = jnp.exp(norm_lw)
    # ParticleApproximation.resample(): categorical draw of N indices with p=weights,
    # implemented deterministically via inverse-CDF (same math as jr.choice with p)
    cdf = jnp.cumsum(weights)
    cdf = cdf / cdf[-1]
    indices = jnp.searchsorted(cdf, uniforms)
    indices = jnp.clip(indices, 0, particles.shape[0] - 1)
    resampled = jnp.take(particles, indices, axis=0)
    return resampled

if __name__ == "__main__":
    import jax
    _d = setup_inputs()
    print(jax.jit(kernel)(*tuple(_d.values())))

</pallas_src>

<mosaic_0001>
#map = affine_map<(d0, d1) -> (0, 0)>
#map1 = affine_map<(d0, d1) -> (0)>
module attributes {stable_mosaic.version = 14 : i64} {
  func.func @resample_kernel(%arg0: i32, %arg1: i32, %arg2: memref<262144x64xf32, #tpu.memory_space<hbm>>, %arg3: memref<262144xf32, #tpu.memory_space<hbm>>, %arg4: memref<16384x16xf32, #tpu.memory_space<hbm>>, %arg5: memref<16384xf32, #tpu.memory_space<hbm>>, %arg6: memref<262144x64xf32, #tpu.memory_space<hbm>>, %arg7: memref<8192xf32, #tpu.memory_space<vmem>>, %arg8: memref<16384xf32, #tpu.memory_space<vmem>>, %arg9: memref<8192xi32, #tpu.memory_space<vmem>>, %arg10: memref<8192xi32, #tpu.memory_space<vmem>>, %arg11: memref<128x16xf32, #tpu.memory_space<vmem>>, %arg12: memref<2x128x64xf32, #tpu.memory_space<vmem>>, %arg13: memref<!tpu.dma_semaphore, #tpu.memory_space<semaphore_mem>>, %arg14: memref<!tpu.dma_semaphore, #tpu.memory_space<semaphore_mem>>) attributes {dimension_semantics = [#tpu.dimension_semantics<core_parallel>, #tpu.dimension_semantics<subcore_parallel>], iteration_bounds = array<i64: 2, 16>, scalar_prefetch = 0 : i64, scratch_operands = 8 : i64, tpu.core_type = #tpu.core_type<sc_vector_subcore>, window_params = [{transform_indices = #map}, {transform_indices = #map1}, {transform_indices = #map}, {transform_indices = #map1}, {transform_indices = #map}]} {
    %mul3A = arith.constant 2 : i32
    %mul3A_0 = arith.muli %arg1, %mul3A : i32
    %add3A = arith.addi %mul3A_0, %arg0 : i32
    %mul3A_1 = arith.constant 8192 : i32
    %mul3A_2 = arith.muli %add3A, %mul3A_1 : i32
    "tpu.region"() ({
      %run_scoped3A = tpu.sem_alloc : memref<!tpu.dma_semaphore, #tpu.memory_space<semaphore_mem>>
      %dma_start3A = tpu.memref_slice %arg3[%mul3A_2] : memref<262144xf32, #tpu.memory_space<hbm>> -> memref<8192xf32, #tpu.memory_space<hbm>>
      %dma_start3A_23 = tpu.memref_slice %arg3[%mul3A_2] : memref<262144xf32, #tpu.memory_space<hbm>> -> memref<8192xf32, #tpu.memory_space<hbm>>
      tpu.enqueue_dma source(%dma_start3A_23 : memref<8192xf32, #tpu.memory_space<hbm>>) target(%arg7 : memref<8192xf32, #tpu.memory_space<vmem>>) target_semaphore(%run_scoped3A : memref<!tpu.dma_semaphore, #tpu.memory_space<semaphore_mem>>)
      %dma_wait3A = tpu.memref_slice %arg3[%mul3A_2] : memref<262144xf32, #tpu.memory_space<hbm>> -> memref<8192xf32, #tpu.memory_space<hbm>>
      %dma_wait3A_24 = tpu.memref_slice %arg3[%mul3A_2] : memref<262144xf32, #tpu.memory_space<hbm>> -> memref<8192xf32, #tpu.memory_space<hbm>>
      tpu.wait_dma2 semaphore(%run_scoped3A : memref<!tpu.dma_semaphore, #tpu.memory_space<semaphore_mem>>) src(%dma_wait3A_24 : memref<8192xf32, #tpu.memory_space<hbm>>) dst(%arg7 : memref<8192xf32, #tpu.memory_space<vmem>>)
      tpu.yield
    }) : () -> ()
    "tpu.region"() ({
      %run_scoped3A = tpu.sem_alloc : memref<!tpu.dma_semaphore, #tpu.memory_space<semaphore_mem>>
      tpu.enqueue_dma source(%arg5 : memref<16384xf32, #tpu.memory_space<hbm>>) target(%arg8 : memref<16384xf32, #tpu.memory_space<vmem>>) target_semaphore(%run_scoped3A : memref<!tpu.dma_semaphore, #tpu.memory_space<semaphore_mem>>)
      tpu.wait_dma2 semaphore(%run_scoped3A : memref<!tpu.dma_semaphore, #tpu.memory_space<semaphore_mem>>) src(%arg5 : memref<16384xf32, #tpu.memory_space<hbm>>) dst(%arg8 : memref<16384xf32, #tpu.memory_space<vmem>>)
      tpu.yield
    }) : () -> ()
    %iota3A = tpu.iota {dimensions = array<i32: 0>} : vector<16xi32>
    %scan3A = arith.constant 0 : i32
    %scan3A_3 = arith.constant 0 : i32
    %scan3A_4 = arith.constant 512 : i32
    %scan3A_5 = arith.addi %scan3A_3, %scan3A_4 : i32
    %scan3A_6 = arith.constant 1 : i32
    %scan3A_7 = scf.for %scan3A_23 = %scan3A_3 to %scan3A_5 step %scan3A_6 iter_args(%scan3A_24 = %scan3A) -> (i32)  : i32 {
      %mul3A_25 = arith.constant 16 : i32
      %mul3A_26 = arith.muli %scan3A_23, %mul3A_25 : i32
      %get3A = arith.index_cast %mul3A_26 : i32 to index
      %get3A_27 = tpu.vector_load %arg7[%get3A] {strides = array<i32>} : memref<8192xf32, #tpu.memory_space<vmem>>, vector<16xf32>,
      %broadcast_in_dim3A = arith.constant 0 : i32
      %broadcast_in_dim3A_28 = vector.broadcast %broadcast_in_dim3A : i32 to vector<16xi32>
      %add3A_29 = arith.constant 8191 : i32
      %add3A_30 = vector.broadcast %add3A_29 : i32 to vector<16xi32>
      %add3A_31 = arith.addi %broadcast_in_dim3A_28, %add3A_30 : vector<16xi32>
      %gather3A = tpu.vector_load_idx %arg8[%add3A_31] : memref<16384xf32, #tpu.memory_space<vmem>>[vector<16xi32>], vector<16xf32>,
      %lt3A = arith.cmpf olt, %gather3A, %get3A_27 : vector<16xf32>
      %jit3A = arith.constant 8192 : i32
      %jit3A_32 = arith.constant 0 : i32
      %broadcast_in_dim3A_33 = vector.broadcast %jit3A : i32 to vector<16xi32>
      %broadcast_in_dim3A_34 = vector.broadcast %jit3A_32 : i32 to vector<16xi32>
      %select_n3A = arith.select %lt3A, %broadcast_in_dim3A_33, %broadcast_in_dim3A_34 : vector<16xi1>, vector<16xi32>
      %add3A_35 = arith.addi %broadcast_in_dim3A_28, %select_n3A : vector<16xi32>
      %add3A_36 = arith.constant 4095 : i32
      %add3A_37 = vector.broadcast %add3A_36 : i32 to vector<16xi32>
      %add3A_38 = arith.addi %add3A_35, %add3A_37 : vector<16xi32>
      %gather3A_39 = tpu.vector_load_idx %arg8[%add3A_38] : memref<16384xf32, #tpu.memory_space<vmem>>[vector<16xi32>], vector<16xf32>,
      %lt3A_40 = arith.cmpf olt, %gather3A_39, %get3A_27 : vector<16xf32>
      %jit3A_41 = arith.constant 4096 : i32
      %jit3A_42 = arith.constant 0 : i32
      %broadcast_in_dim3A_43 = vector.broadcast %jit3A_41 : i32 to vector<16xi32>
      %broadcast_in_dim3A_44 = vector.broadcast %jit3A_42 : i32 to vector<16xi32>
      %select_n3A_45 = arith.select %lt3A_40, %broadcast_in_dim3A_43, %broadcast_in_dim3A_44 : vector<16xi1>, vector<16xi32>
      %add3A_46 = arith.addi %add3A_35, %select_n3A_45 : vector<16xi32>
      %add3A_47 = arith.constant 2047 : i32
      %add3A_48 = vector.broadcast %add3A_47 : i32 to vector<16xi32>
      %add3A_49 = arith.addi %add3A_46, %add3A_48 : vector<16xi32>
      %gather3A_50 = tpu.vector_load_idx %arg8[%add3A_49] : memref<16384xf32, #tpu.memory_space<vmem>>[vector<16xi32>], vector<16xf32>,
      %lt3A_51 = arith.cmpf olt, %gather3A_50, %get3A_27 : vector<16xf32>
      %jit3A_52 = arith.constant 2048 : i32
      %jit3A_53 = arith.constant 0 : i32
      %broadcast_in_dim3A_54 = vector.broadcast %jit3A_52 : i32 to vector<16xi32>
      %broadcast_in_dim3A_55 = vector.broadcast %jit3A_53 : i32 to vector<16xi32>
      %select_n3A_56 = arith.select %lt3A_51, %broadcast_in_dim3A_54, %broadcast_in_dim3A_55 : vector<16xi1>, vector<16xi32>
      %add3A_57 = arith.addi %add3A_46, %select_n3A_56 : vector<16xi32>
      %add3A_58 = arith.constant 1023 : i32
      %add3A_59 = vector.broadcast %add3A_58 : i32 to vector<16xi32>
      %add3A_60 = arith.addi %add3A_57, %add3A_59 : vector<16xi32>
      %gather3A_61 = tpu.vector_load_idx %arg8[%add3A_60] : memref<16384xf32, #tpu.memory_space<vmem>>[vector<16xi32>], vector<16xf32>,
      %lt3A_62 = arith.cmpf olt, %gather3A_61, %get3A_27 : vector<16xf32>
      %jit3A_63 = arith.constant 1024 : i32
      %jit3A_64 = arith.constant 0 : i32
      %broadcast_in_dim3A_65 = vector.broadcast %jit3A_63 : i32 to vector<16xi32>
      %broadcast_in_dim3A_66 = vector.broadcast %jit3A_64 : i32 to vector<16xi32>
      %select_n3A_67 = arith.select %lt3A_62, %broadcast_in_dim3A_65, %broadcast_in_dim3A_66 : vector<16xi1>, vector<16xi32>
      %add3A_68 = arith.addi %add3A_57, %select_n3A_67 : vector<16xi32>
      %add3A_69 = arith.constant 511 : i32
      %add3A_70 = vector.broadcast %add3A_69 : i32 to vector<16xi32>
      %add3A_71 = arith.addi %add3A_68, %add3A_70 : vector<16xi32>
      %gather3A_72 = tpu.vector_load_idx %arg8[%add3A_71] : memref<16384xf32, #tpu.memory_space<vmem>>[vector<16xi32>], vector<16xf32>,
      %lt3A_73 = arith.cmpf olt, %gather3A_72, %get3A_27 : vector<16xf32>
      %jit3A_74 = arith.constant 512 : i32
      %jit3A_75 = arith.constant 0 : i32
      %broadcast_in_dim3A_76 = vector.broadcast %jit3A_74 : i32 to vector<16xi32>
      %broadcast_in_dim3A_77 = vector.broadcast %jit3A_75 : i32 to vector<16xi32>
      %select_n3A_78 = arith.select %lt3A_73, %broadcast_in_dim3A_76, %broadcast_in_dim3A_77 : vector<16xi1>, vector<16xi32>
      %add3A_79 = arith.addi %add3A_68, %select_n3A_78 : vector<16xi32>
      %add3A_80 = arith.constant 255 : i32
      %add3A_81 = vector.broadcast %add3A_80 : i32 to vector<16xi32>
      %add3A_82 = arith.addi %add3A_79, %add3A_81 : vector<16xi32>
      %gather3A_83 = tpu.vector_load_idx %arg8[%add3A_82] : memref<16384xf32, #tpu.memory_space<vmem>>[vector<16xi32>], vector<16xf32>,
      %lt3A_84 = arith.cmpf olt, %gather3A_83, %get3A_27 : vector<16xf32>
      %jit3A_85 = arith.constant 256 : i32
      %jit3A_86 = arith.constant 0 : i32
      %broadcast_in_dim3A_87 = vector.broadcast %jit3A_85 : i32 to vector<16xi32>
      %broadcast_in_dim3A_88 = vector.broadcast %jit3A_86 : i32 to vector<16xi32>
      %select_n3A_89 = arith.select %lt3A_84, %broadcast_in_dim3A_87, %broadcast_in_dim3A_88 : vector<16xi1>, vector<16xi32>
      %add3A_90 = arith.addi %add3A_79, %select_n3A_89 : vector<16xi32>
      %add3A_91 = arith.constant 127 : i32
      %add3A_92 = vector.broadcast %add3A_91 : i32 to vector<16xi32>
      %add3A_93 = arith.addi %add3A_90, %add3A_92 : vector<16xi32>
      %gather3A_94 = tpu.vector_load_idx %arg8[%add3A_93] : memref<16384xf32, #tpu.memory_space<vmem>>[vector<16xi32>], vector<16xf32>,
      %lt3A_95 = arith.cmpf olt, %gather3A_94, %get3A_27 : vector<16xf32>
      %jit3A_96 = arith.constant 128 : i32
      %jit3A_97 = arith.constant 0 : i32
      %broadcast_in_dim3A_98 = vector.broadcast %jit3A_96 : i32 to vector<16xi32>
      %broadcast_in_dim3A_99 = vector.broadcast %jit3A_97 : i32 to vector<16xi32>
      %select_n3A_100 = arith.select %lt3A_95, %broadcast_in_dim3A_98, %broadcast_in_dim3A_99 : vector<16xi1>, vector<16xi32>
      %add3A_101 = arith.addi %add3A_90, %select_n3A_100 : vector<16xi32>
      %add3A_102 = arith.constant 63 : i32
      %add3A_103 = vector.broadcast %add3A_102 : i32 to vector<16xi32>
      %add3A_104 = arith.addi %add3A_101, %add3A_103 : vector<16xi32>
      %gather3A_105 = tpu.vector_load_idx %arg8[%add3A_104] : memref<16384xf32, #tpu.memory_space<vmem>>[vector<16xi32>], vector<16xf32>,
      %lt3A_106 = arith.cmpf olt, %gather3A_105, %get3A_27 : vector<16xf32>
      %jit3A_107 = arith.constant 64 : i32
      %jit3A_108 = arith.constant 0 : i32
      %broadcast_in_dim3A_109 = vector.broadcast %jit3A_107 : i32 to vector<16xi32>
      %broadcast_in_dim3A_110 = vector.broadcast %jit3A_108 : i32 to vector<16xi32>
      %select_n3A_111 = arith.select %lt3A_106, %broadcast_in_dim3A_109, %broadcast_in_dim3A_110 : vector<16xi1>, vector<16xi32>
      %add3A_112 = arith.addi %add3A_101, %select_n3A_111 : vector<16xi32>
      %add3A_113 = arith.constant 31 : i32
      %add3A_114 = vector.broadcast %add3A_113 : i32 to vector<16xi32>
      %add3A_115 = arith.addi %add3A_112, %add3A_114 : vector<16xi32>
      %gather3A_116 = tpu.vector_load_idx %arg8[%add3A_115] : memref<16384xf32, #tpu.memory_space<vmem>>[vector<16xi32>], vector<16xf32>,
      %lt3A_117 = arith.cmpf olt, %gather3A_116, %get3A_27 : vector<16xf32>
      %jit3A_118 = arith.constant 32 : i32
      %jit3A_119 = arith.constant 0 : i32
      %broadcast_in_dim3A_120 = vector.broadcast %jit3A_118 : i32 to vector<16xi32>
      %broadcast_in_dim3A_121 = vector.broadcast %jit3A_119 : i32 to vector<16xi32>
      %select_n3A_122 = arith.select %lt3A_117, %broadcast_in_dim3A_120, %broadcast_in_dim3A_121 : vector<16xi1>, vector<16xi32>
      %add3A_123 = arith.addi %add3A_112, %select_n3A_122 : vector<16xi32>
      %add3A_124 = arith.constant 15 : i32
      %add3A_125 = vector.broadcast %add3A_124 : i32 to vector<16xi32>
      %add3A_126 = arith.addi %add3A_123, %add3A_125 : vector<16xi32>
      %gather3A_127 = tpu.vector_load_idx %arg8[%add3A_126] : memref<16384xf32, #tpu.memory_space<vmem>>[vector<16xi32>], vector<16xf32>,
      %lt3A_128 = arith.cmpf olt, %gather3A_127, %get3A_27 : vector<16xf32>
      %jit3A_129 = arith.constant 16 : i32
      %jit3A_130 = arith.constant 0 : i32
      %broadcast_in_dim3A_131 = vector.broadcast %jit3A_129 : i32 to vector<16xi32>
      %broadcast_in_dim3A_132 = vector.broadcast %jit3A_130 : i32 to vector<16xi32>
      %select_n3A_133 = arith.select %lt3A_128, %broadcast_in_dim3A_131, %broadcast_in_dim3A_132 : vector<16xi1>, vector<16xi32>
      %add3A_134 = arith.addi %add3A_123, %select_n3A_133 : vector<16xi32>
      %add3A_135 = arith.constant 7 : i32
      %add3A_136 = vector.broadcast %add3A_135 : i32 to vector<16xi32>
      %add3A_137 = arith.addi %add3A_134, %add3A_136 : vector<16xi32>
      %gather3A_138 = tpu.vector_load_idx %arg8[%add3A_137] : memref<16384xf32, #tpu.memory_space<vmem>>[vector<16xi32>], vector<16xf32>,
      %lt3A_139 = arith.cmpf olt, %gather3A_138, %get3A_27 : vector<16xf32>
      %jit3A_140 = arith.constant 8 : i32
      %jit3A_141 = arith.constant 0 : i32
      %broadcast_in_dim3A_142 = vector.broadcast %jit3A_140 : i32 to vector<16xi32>
      %broadcast_in_dim3A_143 = vector.broadcast %jit3A_141 : i32 to vector<16xi32>
      %select_n3A_144 = arith.select %lt3A_139, %broadcast_in_dim3A_142, %broadcast_in_dim3A_143 : vector<16xi1>, vector<16xi32>
      %add3A_145 = arith.addi %add3A_134, %select_n3A_144 : vector<16xi32>
      %add3A_146 = arith.constant 3 : i32
      %add3A_147 = vector.broadcast %add3A_146 : i32 to vector<16xi32>
      %add3A_148 = arith.addi %add3A_145, %add3A_147 : vector<16xi32>
      %gather3A_149 = tpu.vector_load_idx %arg8[%add3A_148] : memref<16384xf32, #tpu.memory_space<vmem>>[vector<16xi32>], vector<16xf32>,
      %lt3A_150 = arith.cmpf olt, %gather3A_149, %get3A_27 : vector<16xf32>
      %jit3A_151 = arith.constant 4 : i32
      %jit3A_152 = arith.constant 0 : i32
      %broadcast_in_dim3A_153 = vector.broadcast %jit3A_151 : i32 to vector<16xi32>
      %broadcast_in_dim3A_154 = vector.broadcast %jit3A_152 : i32 to vector<16xi32>
      %select_n3A_155 = arith.select %lt3A_150, %broadcast_in_dim3A_153, %broadcast_in_dim3A_154 : vector<16xi1>, vector<16xi32>
      %add3A_156 = arith.addi %add3A_145, %select_n3A_155 : vector<16xi32>
      %add3A_157 = arith.constant 1 : i32
      %add3A_158 = vector.broadcast %add3A_157 : i32 to vector<16xi32>
      %add3A_159 = arith.addi %add3A_156, %add3A_158 : vector<16xi32>
      %gather3A_160 = tpu.vector_load_idx %arg8[%add3A_159] : memref<16384xf32, #tpu.memory_space<vmem>>[vector<16xi32>], vector<16xf32>,
      %lt3A_161 = arith.cmpf olt, %gather3A_160, %get3A_27 : vector<16xf32>
      %jit3A_162 = arith.constant 2 : i32
      %jit3A_163 = arith.constant 0 : i32
      %broadcast_in_dim3A_164 = vector.broadcast %jit3A_162 : i32 to vector<16xi32>
      %broadcast_in_dim3A_165 = vector.broadcast %jit3A_163 : i32 to vector<16xi32>
      %select_n3A_166 = arith.select %lt3A_161, %broadcast_in_dim3A_164, %broadcast_in_dim3A_165 : vector<16xi1>, vector<16xi32>
      %add3A_167 = arith.addi %add3A_156, %select_n3A_166 : vector<16xi32>
      %add3A_168 = arith.constant 0 : i32
      %add3A_169 = vector.broadcast %add3A_168 : i32 to vector<16xi32>
      %add3A_170 = arith.addi %add3A_167, %add3A_169 : vector<16xi32>
      %gather3A_171 = tpu.vector_load_idx %arg8[%add3A_170] : memref<16384xf32, #tpu.memory_space<vmem>>[vector<16xi32>], vector<16xf32>,
      %lt3A_172 = arith.cmpf olt, %gather3A_171, %get3A_27 : vector<16xf32>
      %jit3A_173 = arith.constant 1 : i32
      %jit3A_174 = arith.constant 0 : i32
      %broadcast_in_dim3A_175 = vector.broadcast %jit3A_173 : i32 to vector<16xi32>
      %broadcast_in_dim3A_176 = vector.broadcast %jit3A_174 : i32 to vector<16xi32>
      %select_n3A_177 = arith.select %lt3A_172, %broadcast_in_dim3A_175, %broadcast_in_dim3A_176 : vector<16xi1>, vector<16xi32>
      %add3A_178 = arith.addi %add3A_167, %select_n3A_177 : vector<16xi32>
      %min3A = arith.constant 16383 : i32
      %min3A_179 = vector.broadcast %min3A : i32 to vector<16xi32>
      %min3A_180 = arith.minsi %add3A_178, %min3A_179 : vector<16xi32>
      %mul3A_181 = arith.constant 16 : i32
      %mul3A_182 = arith.muli %scan3A_23, %mul3A_181 : i32
      %swap3A = arith.index_cast %mul3A_182 : i32 to index
      %swap3A_183 = tpu.vector_load %arg9[%swap3A] {strides = array<i32>} : memref<8192xi32, #tpu.memory_space<vmem>>, vector<16xi32>,
      tpu.vector_store %arg9[%swap3A], %min3A_180 {strides = array<i32>} : memref<8192xi32, #tpu.memory_space<vmem>>, vector<16xi32>,
      %scan3A_184 = arith.constant 0 : i32
      scf.yield %scan3A_184 : i32
    }
    %scan3A_8 = arith.constant 512 : i32
    %scan3A_9 = arith.constant 0 : i32
    %scan3A_10 = arith.constant 0 : i32
    %scan3A_11 = arith.constant 64 : i32
    %scan3A_12 = arith.addi %scan3A_10, %scan3A_11 : i32
    %scan3A_13 = arith.constant 1 : i32
    %scan3A_14 = scf.for %scan3A_23 = %scan3A_10 to %scan3A_12 step %scan3A_13 iter_args(%scan3A_24 = %scan3A_9) -> (i32)  : i32 {
      %mul3A_25 = arith.constant 128 : i32
      %mul3A_26 = arith.muli %scan3A_23, %mul3A_25 : i32
      %dma_start3A = tpu.memref_slice %arg9[%mul3A_26] : memref<8192xi32, #tpu.memory_space<vmem>> -> memref<128xi32, #tpu.memory_space<vmem>>
      %dma_start3A_27 = arith.constant 0 : i32
      %dma_start3A_28 = arith.constant 0 : i32
      %dma_start3A_29 = tpu.memref_slice %arg4[%dma_start3A_27, %dma_start3A_28] : memref<16384x16xf32, #tpu.memory_space<hbm>> -> memref<16384x16xf32, #tpu.memory_space<hbm>>
      tpu.enqueue_indirect_dma source(%dma_start3A_29 : memref<16384x16xf32, #tpu.memory_space<hbm>>) target(%arg11 : memref<128x16xf32, #tpu.memory_space<vmem>>) offsets(%dma_start3A : memref<128xi32, #tpu.memory_space<vmem>>) semaphore(%arg13 : memref<!tpu.dma_semaphore, #tpu.memory_space<semaphore_mem>>)
      %dma_wait3A = tpu.memref_slice %arg9[%mul3A_26] : memref<8192xi32, #tpu.memory_space<vmem>> -> memref<128xi32, #tpu.memory_space<vmem>>
      %dma_wait3A_30 = arith.constant 0 : i32
      %dma_wait3A_31 = arith.constant 0 : i32
      %dma_wait3A_32 = tpu.memref_slice %arg4[%dma_wait3A_30, %dma_wait3A_31] : memref<16384x16xf32, #tpu.memory_space<hbm>> -> memref<16384x16xf32, #tpu.memory_space<hbm>>
      tpu.wait_indirect_dma semaphore(%arg13 : memref<!tpu.dma_semaphore, #tpu.memory_space<semaphore_mem>>) src(%dma_wait3A_32 : memref<16384x16xf32, #tpu.memory_space<hbm>>) dst(%arg11 : memref<128x16xf32, #tpu.memory_space<vmem>>)
      %scan3A_33 = arith.constant 0 : i32
      %scan3A_34 = arith.constant 0 : i32
      %scan3A_35 = arith.constant 8 : i32
      %scan3A_36 = arith.addi %scan3A_34, %scan3A_35 : i32
      %scan3A_37 = arith.constant 1 : i32
      %scan3A_38 = scf.for %scan3A_41 = %scan3A_34 to %scan3A_36 step %scan3A_37 iter_args(%scan3A_42 = %scan3A_33) -> (i32)  : i32 {
        %mul3A_43 = arith.constant 16 : i32
        %mul3A_44 = arith.muli %scan3A_41, %mul3A_43 : i32
        %mul3A_45 = arith.constant 128 : i32
        %mul3A_46 = arith.muli %scan3A_23, %mul3A_45 : i32
        %add3A_47 = arith.addi %mul3A_46, %mul3A_44 : i32
        %get3A = arith.index_cast %add3A_47 : i32 to index
        %get3A_48 = tpu.vector_load %arg7[%get3A] {strides = array<i32>} : memref<8192xf32, #tpu.memory_space<vmem>>, vector<16xf32>,
        %mul3A_49 = arith.constant 128 : i32
        %mul3A_50 = arith.muli %scan3A_23, %mul3A_49 : i32
        %add3A_51 = arith.addi %mul3A_50, %mul3A_44 : i32
        %get3A_52 = arith.index_cast %add3A_51 : i32 to index
        %get3A_53 = tpu.vector_load %arg9[%get3A_52] {strides = array<i32>} : memref<8192xi32, #tpu.memory_space<vmem>>, vector<16xi32>,
        %add3A_54 = vector.broadcast %mul3A_44 : i32 to vector<16xi32>
        %add3A_55 = arith.addi %iota3A, %add3A_54 : vector<16xi32>
        %broadcast_in_dim3A = arith.constant 0 : i32
        %broadcast_in_dim3A_56 = vector.broadcast %broadcast_in_dim3A : i32 to vector<16xi32>
        %add3A_57 = arith.constant 7 : i32
        %add3A_58 = vector.broadcast %add3A_57 : i32 to vector<16xi32>
        %add3A_59 = arith.addi %broadcast_in_dim3A_56, %add3A_58 : vector<16xi32>
        %gather3A = tpu.vector_load_idx %arg11[%add3A_55, %add3A_59] : memref<128x16xf32, #tpu.memory_space<vmem>>[vector<16xi32>, vector<16xi32>], vector<16xf32>,
        %lt3A = arith.cmpf olt, %gather3A, %get3A_48 : vector<16xf32>
        %jit3A = arith.constant 8 : i32
        %jit3A_60 = arith.constant 0 : i32
        %broadcast_in_dim3A_61 = vector.broadcast %jit3A : i32 to vector<16xi32>
        %broadcast_in_dim3A_62 = vector.broadcast %jit3A_60 : i32 to vector<16xi32>
        %select_n3A = arith.select %lt3A, %broadcast_in_dim3A_61, %broadcast_in_dim3A_62 : vector<16xi1>, vector<16xi32>
        %add3A_63 = arith.addi %broadcast_in_dim3A_56, %select_n3A : vector<16xi32>
        %add3A_64 = arith.constant 3 : i32
        %add3A_65 = vector.broadcast %add3A_64 : i32 to vector<16xi32>
        %add3A_66 = arith.addi %add3A_63, %add3A_65 : vector<16xi32>
        %gather3A_67 = tpu.vector_load_idx %arg11[%add3A_55, %add3A_66] : memref<128x16xf32, #tpu.memory_space<vmem>>[vector<16xi32>, vector<16xi32>], vector<16xf32>,
        %lt3A_68 = arith.cmpf olt, %gather3A_67, %get3A_48 : vector<16xf32>
        %jit3A_69 = arith.constant 4 : i32
        %jit3A_70 = arith.constant 0 : i32
        %broadcast_in_dim3A_71 = vector.broadcast %jit3A_69 : i32 to vector<16xi32>
        %broadcast_in_dim3A_72 = vector.broadcast %jit3A_70 : i32 to vector<16xi32>
        %select_n3A_73 = arith.select %lt3A_68, %broadcast_in_dim3A_71, %broadcast_in_dim3A_72 : vector<16xi1>, vector<16xi32>
        %add3A_74 = arith.addi %add3A_63, %select_n3A_73 : vector<16xi32>
        %add3A_75 = arith.constant 1 : i32
        %add3A_76 = vector.broadcast %add3A_75 : i32 to vector<16xi32>
        %add3A_77 = arith.addi %add3A_74, %add3A_76 : vector<16xi32>
        %gather3A_78 = tpu.vector_load_idx %arg11[%add3A_55, %add3A_77] : memref<128x16xf32, #tpu.memory_space<vmem>>[vector<16xi32>, vector<16xi32>], vector<16xf32>,
        %lt3A_79 = arith.cmpf olt, %gather3A_78, %get3A_48 : vector<16xf32>
        %jit3A_80 = arith.constant 2 : i32
        %jit3A_81 = arith.constant 0 : i32
        %broadcast_in_dim3A_82 = vector.broadcast %jit3A_80 : i32 to vector<16xi32>
        %broadcast_in_dim3A_83 = vector.broadcast %jit3A_81 : i32 to vector<16xi32>
        %select_n3A_84 = arith.select %lt3A_79, %broadcast_in_dim3A_82, %broadcast_in_dim3A_83 : vector<16xi1>, vector<16xi32>
        %add3A_85 = arith.addi %add3A_74, %select_n3A_84 : vector<16xi32>
        %add3A_86 = arith.constant 0 : i32
        %add3A_87 = vector.broadcast %add3A_86 : i32 to vector<16xi32>
        %add3A_88 = arith.addi %add3A_85, %add3A_87 : vector<16xi32>
        %gather3A_89 = tpu.vector_load_idx %arg11[%add3A_55, %add3A_88] : memref<128x16xf32, #tpu.memory_space<vmem>>[vector<16xi32>, vector<16xi32>], vector<16xf32>,
        %lt3A_90 = arith.cmpf olt, %gather3A_89, %get3A_48 : vector<16xf32>
        %jit3A_91 = arith.constant 1 : i32
        %jit3A_92 = arith.constant 0 : i32
        %broadcast_in_dim3A_93 = vector.broadcast %jit3A_91 : i32 to vector<16xi32>
        %broadcast_in_dim3A_94 = vector.broadcast %jit3A_92 : i32 to vector<16xi32>
        %select_n3A_95 = arith.select %lt3A_90, %broadcast_in_dim3A_93, %broadcast_in_dim3A_94 : vector<16xi1>, vector<16xi32>
        %add3A_96 = arith.addi %add3A_85, %select_n3A_95 : vector<16xi32>
        %mul3A_97 = arith.constant 16 : i32
        %mul3A_98 = vector.broadcast %mul3A_97 : i32 to vector<16xi32>
        %mul3A_99 = arith.muli %get3A_53, %mul3A_98 : vector<16xi32>
        %add3A_100 = arith.addi %mul3A_99, %add3A_96 : vector<16xi32>
        %min3A = arith.constant 262143 : i32
        %min3A_101 = vector.broadcast %min3A : i32 to vector<16xi32>
        %min3A_102 = arith.minsi %add3A_100, %min3A_101 : vector<16xi32>
        %mul3A_103 = arith.constant 128 : i32
        %mul3A_104 = arith.muli %scan3A_23, %mul3A_103 : i32
        %add3A_105 = arith.addi %mul3A_104, %mul3A_44 : i32
        %swap3A = arith.index_cast %add3A_105 : i32 to index
        %swap3A_106 = tpu.vector_load %arg10[%swap3A] {strides = array<i32>} : memref<8192xi32, #tpu.memory_space<vmem>>, vector<16xi32>,
        tpu.vector_store %arg10[%swap3A], %min3A_102 {strides = array<i32>} : memref<8192xi32, #tpu.memory_space<vmem>>, vector<16xi32>,
        %scan3A_107 = arith.constant 0 : i32
        scf.yield %scan3A_107 : i32
      }
      %scan3A_39 = arith.constant 8 : i32
      %scan3A_40 = arith.constant 0 : i32
      scf.yield %scan3A_40 : i32
    }
    %scan3A_15 = arith.constant 64 : i32
    %scan3A_16 = arith.constant 0 : i32
    %scan3A_17 = arith.constant 0 : i32
    %scan3A_18 = arith.constant 32 : i32
    %scan3A_19 = arith.addi %scan3A_17, %scan3A_18 : i32
    %scan3A_20 = arith.constant 1 : i32
    %scan3A_21 = scf.for %scan3A_23 = %scan3A_17 to %scan3A_19 step %scan3A_20 iter_args(%scan3A_24 = %scan3A_16) -> (i32)  : i32 {
      %mul3A_25 = arith.constant 2 : i32
      %mul3A_26 = arith.muli %scan3A_23, %mul3A_25 : i32
      %add3A_27 = arith.constant 0 : i32
      %add3A_28 = arith.addi %mul3A_26, %add3A_27 : i32
      %mul3A_29 = arith.constant 128 : i32
      %mul3A_30 = arith.muli %add3A_28, %mul3A_29 : i32
      %dma_start3A = arith.constant 0 : i32
      %dma_start3A_31 = arith.constant 0 : i32
      %dma_start3A_32 = arith.constant 0 : i32
      %dma_start3A_33 = tpu.memref_slice %arg12[%dma_start3A, %dma_start3A_31, %dma_start3A_32] : memref<2x128x64xf32, #tpu.memory_space<vmem>> -> memref<1x128x64xf32, #tpu.memory_space<vmem>>
      %dma_start3A_34 = tpu.memref_squeeze %dma_start3A_33 : memref<1x128x64xf32, #tpu.memory_space<vmem>> -> memref<128x64xf32, #tpu.memory_space<vmem>>
      %dma_start3A_35 = tpu.memref_slice %arg10[%mul3A_30] : memref<8192xi32, #tpu.memory_space<vmem>> -> memref<128xi32, #tpu.memory_space<vmem>>
      %dma_start3A_36 = arith.constant 0 : i32
      %dma_start3A_37 = arith.constant 0 : i32
      %dma_start3A_38 = tpu.memref_slice %arg2[%dma_start3A_36, %dma_start3A_37] : memref<262144x64xf32, #tpu.memory_space<hbm>> -> memref<262144x64xf32, #tpu.memory_space<hbm>>
      tpu.enqueue_indirect_dma source(%dma_start3A_38 : memref<262144x64xf32, #tpu.memory_space<hbm>>) target(%dma_start3A_34 : memref<128x64xf32, #tpu.memory_space<vmem>>) offsets(%dma_start3A_35 : memref<128xi32, #tpu.memory_space<vmem>>) semaphore(%arg14 : memref<!tpu.dma_semaphore, #tpu.memory_space<semaphore_mem>>)
      %dma_wait3A = arith.constant 0 : i32
      %dma_wait3A_39 = arith.constant 0 : i32
      %dma_wait3A_40 = arith.constant 0 : i32
      %dma_wait3A_41 = tpu.memref_slice %arg12[%dma_wait3A, %dma_wait3A_39, %dma_wait3A_40] : memref<2x128x64xf32, #tpu.memory_space<vmem>> -> memref<1x128x64xf32, #tpu.memory_space<vmem>>
      %dma_wait3A_42 = tpu.memref_squeeze %dma_wait3A_41 : memref<1x128x64xf32, #tpu.memory_space<vmem>> -> memref<128x64xf32, #tpu.memory_space<vmem>>
      %dma_wait3A_43 = tpu.memref_slice %arg10[%mul3A_30] : memref<8192xi32, #tpu.memory_space<vmem>> -> memref<128xi32, #tpu.memory_space<vmem>>
      %dma_wait3A_44 = arith.constant 0 : i32
      %dma_wait3A_45 = arith.constant 0 : i32
      %dma_wait3A_46 = tpu.memref_slice %arg2[%dma_wait3A_44, %dma_wait3A_45] : memref<262144x64xf32, #tpu.memory_space<hbm>> -> memref<262144x64xf32, #tpu.memory_space<hbm>>
      tpu.wait_indirect_dma semaphore(%arg14 : memref<!tpu.dma_semaphore, #tpu.memory_space<semaphore_mem>>) src(%dma_wait3A_46 : memref<262144x64xf32, #tpu.memory_space<hbm>>) dst(%dma_wait3A_42 : memref<128x64xf32, #tpu.memory_space<vmem>>)
      %mul3A_47 = arith.constant 8192 : i32
      %mul3A_48 = arith.muli %add3A, %mul3A_47 : i32
      %mul3A_49 = arith.constant 128 : i32
      %mul3A_50 = arith.muli %add3A_28, %mul3A_49 : i32
      %add3A_51 = arith.addi %mul3A_48, %mul3A_50 : i32
      %run_scoped3A = arith.constant 0 : i32
      "tpu.region"() ({
        %run_scoped3A_83 = tpu.sem_alloc : memref<!tpu.dma_semaphore, #tpu.memory_space<semaphore_mem>>
        %dma_start3A_84 = arith.constant 0 : i32
        %dma_start3A_85 = arith.constant 0 : i32
        %dma_start3A_86 = tpu.memref_slice %arg12[%run_scoped3A, %dma_start3A_84, %dma_start3A_85] : memref<2x128x64xf32, #tpu.memory_space<vmem>> -> memref<1x128x64xf32, #tpu.memory_space<vmem>>
        %dma_start3A_87 = tpu.memref_squeeze %dma_start3A_86 : memref<1x128x64xf32, #tpu.memory_space<vmem>> -> memref<128x64xf32, #tpu.memory_space<vmem>>
        %dma_start3A_88 = arith.constant 0 : i32
        %dma_start3A_89 = tpu.memref_slice %arg6[%add3A_51, %dma_start3A_88] : memref<262144x64xf32, #tpu.memory_space<hbm>> -> memref<128x64xf32, #tpu.memory_space<hbm>>
        %dma_start3A_90 = arith.constant 0 : i32
        %dma_start3A_91 = tpu.memref_slice %arg6[%add3A_51, %dma_start3A_90] : memref<262144x64xf32, #tpu.memory_space<hbm>> -> memref<128x64xf32, #tpu.memory_space<hbm>>
        %dma_start3A_92 = arith.constant 0 : i32
        %dma_start3A_93 = arith.constant 0 : i32
        %dma_start3A_94 = tpu.memref_slice %arg12[%run_scoped3A, %dma_start3A_92, %dma_start3A_93] : memref<2x128x64xf32, #tpu.memory_space<vmem>> -> memref<1x128x64xf32, #tpu.memory_space<vmem>>
        %dma_start3A_95 = tpu.memref_squeeze %dma_start3A_94 : memref<1x128x64xf32, #tpu.memory_space<vmem>> -> memref<128x64xf32, #tpu.memory_space<vmem>>
        tpu.enqueue_dma source(%dma_start3A_95 : memref<128x64xf32, #tpu.memory_space<vmem>>) target(%dma_start3A_91 : memref<128x64xf32, #tpu.memory_space<hbm>>) target_semaphore(%run_scoped3A_83 : memref<!tpu.dma_semaphore, #tpu.memory_space<semaphore_mem>>)
        %dma_wait3A_96 = arith.constant 0 : i32
        %dma_wait3A_97 = arith.constant 0 : i32
        %dma_wait3A_98 = tpu.memref_slice %arg12[%run_scoped3A, %dma_wait3A_96, %dma_wait3A_97] : memref<2x128x64xf32, #tpu.memory_space<vmem>> -> memref<1x128x64xf32, #tpu.memory_space<vmem>>
        %dma_wait3A_99 = tpu.memref_squeeze %dma_wait3A_98 : memref<1x128x64xf32, #tpu.memory_space<vmem>> -> memref<128x64xf32, #tpu.memory_space<vmem>>
        %dma_wait3A_100 = arith.constant 0 : i32
        %dma_wait3A_101 = tpu.memref_slice %arg6[%add3A_51, %dma_wait3A_100] : memref<262144x64xf32, #tpu.memory_space<hbm>> -> memref<128x64xf32, #tpu.memory_space<hbm>>
        %dma_wait3A_102 = arith.constant 0 : i32
        %dma_wait3A_103 = tpu.memref_slice %arg6[%add3A_51, %dma_wait3A_102] : memref<262144x64xf32, #tpu.memory_space<hbm>> -> memref<128x64xf32, #tpu.memory_space<hbm>>
        %dma_wait3A_104 = arith.constant 0 : i32
        %dma_wait3A_105 = arith.constant 0 : i32
        %dma_wait3A_106 = tpu.memref_slice %arg12[%run_scoped3A, %dma_wait3A_104, %dma_wait3A_105] : memref<2x128x64xf32, #tpu.memory_space<vmem>> -> memref<1x128x64xf32, #tpu.memory_space<vmem>>
        %dma_wait3A_107 = tpu.memref_squeeze %dma_wait3A_106 : memref<1x128x64xf32, #tpu.memory_space<vmem>> -> memref<128x64xf32, #tpu.memory_space<vmem>>
        tpu.wait_dma2 semaphore(%run_scoped3A_83 : memref<!tpu.dma_semaphore, #tpu.memory_space<semaphore_mem>>) src(%dma_wait3A_107 : memref<128x64xf32, #tpu.memory_space<vmem>>) dst(%dma_wait3A_103 : memref<128x64xf32, #tpu.memory_space<hbm>>)
        tpu.yield
      }) : () -> ()
      %mul3A_52 = arith.constant 2 : i32
      %mul3A_53 = arith.muli %scan3A_23, %mul3A_52 : i32
      %add3A_54 = arith.constant 1 : i32
      %add3A_55 = arith.addi %mul3A_53, %add3A_54 : i32
      %mul3A_56 = arith.constant 128 : i32
      %mul3A_57 = arith.muli %add3A_55, %mul3A_56 : i32
      %dma_start3A_58 = arith.constant 1 : i32
      %dma_start3A_59 = arith.constant 0 : i32
      %dma_start3A_60 = arith.constant 0 : i32
      %dma_start3A_61 = tpu.memref_slice %arg12[%dma_start3A_58, %dma_start3A_59, %dma_start3A_60] : memref<2x128x64xf32, #tpu.memory_space<vmem>> -> memref<1x128x64xf32, #tpu.memory_space<vmem>>
      %dma_start3A_62 = tpu.memref_squeeze %dma_start3A_61 : memref<1x128x64xf32, #tpu.memory_space<vmem>> -> memref<128x64xf32, #tpu.memory_space<vmem>>
      %dma_start3A_63 = tpu.memref_slice %arg10[%mul3A_57] : memref<8192xi32, #tpu.memory_space<vmem>> -> memref<128xi32, #tpu.memory_space<vmem>>
      %dma_start3A_64 = arith.constant 0 : i32
      %dma_start3A_65 = arith.constant 0 : i32
      %dma_start3A_66 = tpu.memref_slice %arg2[%dma_start3A_64, %dma_start3A_65] : memref<262144x64xf32, #tpu.memory_space<hbm>> -> memref<262144x64xf32, #tpu.memory_space<hbm>>
      tpu.enqueue_indirect_dma source(%dma_start3A_66 : memref<262144x64xf32, #tpu.memory_space<hbm>>) target(%dma_start3A_62 : memref<128x64xf32, #tpu.memory_space<vmem>>) offsets(%dma_start3A_63 : memref<128xi32, #tpu.memory_space<vmem>>) semaphore(%arg14 : memref<!tpu.dma_semaphore, #tpu.memory_space<semaphore_mem>>)
      %dma_wait3A_67 = arith.constant 1 : i32
      %dma_wait3A_68 = arith.constant 0 : i32
      %dma_wait3A_69 = arith.constant 0 : i32
      %dma_wait3A_70 = tpu.memref_slice %arg12[%dma_wait3A_67, %dma_wait3A_68, %dma_wait3A_69] : memref<2x128x64xf32, #tpu.memory_space<vmem>> -> memref<1x128x64xf32, #tpu.memory_space<vmem>>
      %dma_wait3A_71 = tpu.memref_squeeze %dma_wait3A_70 : memref<1x128x64xf32, #tpu.memory_space<vmem>> -> memref<128x64xf32, #tpu.memory_space<vmem>>
      %dma_wait3A_72 = tpu.memref_slice %arg10[%mul3A_57] : memref<8192xi32, #tpu.memory_space<vmem>> -> memref<128xi32, #tpu.memory_space<vmem>>
      %dma_wait3A_73 = arith.constant 0 : i32
      %dma_wait3A_74 = arith.constant 0 : i32
      %dma_wait3A_75 = tpu.memref_slice %arg2[%dma_wait3A_73, %dma_wait3A_74] : memref<262144x64xf32, #tpu.memory_space<hbm>> -> memref<262144x64xf32, #tpu.memory_space<hbm>>
      tpu.wait_indirect_dma semaphore(%arg14 : memref<!tpu.dma_semaphore, #tpu.memory_space<semaphore_mem>>) src(%dma_wait3A_75 : memref<262144x64xf32, #tpu.memory_space<hbm>>) dst(%dma_wait3A_71 : memref<128x64xf32, #tpu.memory_space<vmem>>)
      %mul3A_76 = arith.constant 8192 : i32
      %mul3A_77 = arith.muli %add3A, %mul3A_76 : i32
      %mul3A_78 = arith.constant 128 : i32
      %mul3A_79 = arith.muli %add3A_55, %mul3A_78 : i32
      %add3A_80 = arith.addi %mul3A_77, %mul3A_79 : i32
      %run_scoped3A_81 = arith.constant 1 : i32
      "tpu.region"() ({
        %run_scoped3A_83 = tpu.sem_alloc : memref<!tpu.dma_semaphore, #tpu.memory_space<semaphore_mem>>
        %dma_start3A_84 = arith.constant 0 : i32
        %dma_start3A_85 = arith.constant 0 : i32
        %dma_start3A_86 = tpu.memref_slice %arg12[%run_scoped3A_81, %dma_start3A_84, %dma_start3A_85] : memref<2x128x64xf32, #tpu.memory_space<vmem>> -> memref<1x128x64xf32, #tpu.memory_space<vmem>>
        %dma_start3A_87 = tpu.memref_squeeze %dma_start3A_86 : memref<1x128x64xf32, #tpu.memory_space<vmem>> -> memref<128x64xf32, #tpu.memory_space<vmem>>
        %dma_start3A_88 = arith.constant 0 : i32
        %dma_start3A_89 = tpu.memref_slice %arg6[%add3A_80, %dma_start3A_88] : memref<262144x64xf32, #tpu.memory_space<hbm>> -> memref<128x64xf32, #tpu.memory_space<hbm>>
        %dma_start3A_90 = arith.constant 0 : i32
        %dma_start3A_91 = tpu.memref_slice %arg6[%add3A_80, %dma_start3A_90] : memref<262144x64xf32, #tpu.memory_space<hbm>> -> memref<128x64xf32, #tpu.memory_space<hbm>>
        %dma_start3A_92 = arith.constant 0 : i32
        %dma_start3A_93 = arith.constant 0 : i32
        %dma_start3A_94 = tpu.memref_slice %arg12[%run_scoped3A_81, %dma_start3A_92, %dma_start3A_93] : memref<2x128x64xf32, #tpu.memory_space<vmem>> -> memref<1x128x64xf32, #tpu.memory_space<vmem>>
        %dma_start3A_95 = tpu.memref_squeeze %dma_start3A_94 : memref<1x128x64xf32, #tpu.memory_space<vmem>> -> memref<128x64xf32, #tpu.memory_space<vmem>>
        tpu.enqueue_dma source(%dma_start3A_95 : memref<128x64xf32, #tpu.memory_space<vmem>>) target(%dma_start3A_91 : memref<128x64xf32, #tpu.memory_space<hbm>>) target_semaphore(%run_scoped3A_83 : memref<!tpu.dma_semaphore, #tpu.memory_space<semaphore_mem>>)
        %dma_wait3A_96 = arith.constant 0 : i32
        %dma_wait3A_97 = arith.constant 0 : i32
        %dma_wait3A_98 = tpu.memref_slice %arg12[%run_scoped3A_81, %dma_wait3A_96, %dma_wait3A_97] : memref<2x128x64xf32, #tpu.memory_space<vmem>> -> memref<1x128x64xf32, #tpu.memory_space<vmem>>
        %dma_wait3A_99 = tpu.memref_squeeze %dma_wait3A_98 : memref<1x128x64xf32, #tpu.memory_space<vmem>> -> memref<128x64xf32, #tpu.memory_space<vmem>>
        %dma_wait3A_100 = arith.constant 0 : i32
        %dma_wait3A_101 = tpu.memref_slice %arg6[%add3A_80, %dma_wait3A_100] : memref<262144x64xf32, #tpu.memory_space<hbm>> -> memref<128x64xf32, #tpu.memory_space<hbm>>
        %dma_wait3A_102 = arith.constant 0 : i32
        %dma_wait3A_103 = tpu.memref_slice %arg6[%add3A_80, %dma_wait3A_102] : memref<262144x64xf32, #tpu.memory_space<hbm>> -> memref<128x64xf32, #tpu.memory_space<hbm>>
        %dma_wait3A_104 = arith.constant 0 : i32
        %dma_wait3A_105 = arith.constant 0 : i32
        %dma_wait3A_106 = tpu.memref_slice %arg12[%run_scoped3A_81, %dma_wait3A_104, %dma_wait3A_105] : memref<2x128x64xf32, #tpu.memory_space<vmem>> -> memref<1x128x64xf32, #tpu.memory_space<vmem>>
        %dma_wait3A_107 = tpu.memref_squeeze %dma_wait3A_106 : memref<1x128x64xf32, #tpu.memory_space<vmem>> -> memref<128x64xf32, #tpu.memory_space<vmem>>
        tpu.wait_dma2 semaphore(%run_scoped3A_83 : memref<!tpu.dma_semaphore, #tpu.memory_space<semaphore_mem>>) src(%dma_wait3A_107 : memref<128x64xf32, #tpu.memory_space<vmem>>) dst(%dma_wait3A_103 : memref<128x64xf32, #tpu.memory_space<hbm>>)
        tpu.yield
      }) : () -> ()
      %scan3A_82 = arith.constant 0 : i32
      scf.yield %scan3A_82 : i32
    }
    %scan3A_22 = arith.constant 32 : i32
    return
  }
}

#map = affine_map<(d0, d1) -> (0)>
module attributes {stable_mosaic.version = 14 : i64} {
  func.func @coarse_kernel(%arg0: i32, %arg1: i32, %arg2: memref<262144xf32, #tpu.memory_space<hbm>>, %arg3: memref<16384xf32, #tpu.memory_space<hbm>>, %arg4: memref<8192xf32, #tpu.memory_space<vmem>>, %arg5: memref<512xf32, #tpu.memory_space<vmem>>) attributes {dimension_semantics = [#tpu.dimension_semantics<core_parallel>, #tpu.dimension_semantics<subcore_parallel>], iteration_bounds = array<i64: 2, 16>, scalar_prefetch = 0 : i64, scratch_operands = 2 : i64, tpu.core_type = #tpu.core_type<sc_vector_subcore>, window_params = [{transform_indices = #map}, {transform_indices = #map}]} {
    %mul3A = arith.constant 2 : i32
    %mul3A_0 = arith.muli %arg1, %mul3A : i32
    %add3A = arith.addi %mul3A_0, %arg0 : i32
    %mul3A_1 = arith.constant 8192 : i32
    %mul3A_2 = arith.muli %add3A, %mul3A_1 : i32
    "tpu.region"() ({
      %run_scoped3A = tpu.sem_alloc : memref<!tpu.dma_semaphore, #tpu.memory_space<semaphore_mem>>
      %dma_start3A = tpu.memref_slice %arg2[%mul3A_2] : memref<262144xf32, #tpu.memory_space<hbm>> -> memref<8192xf32, #tpu.memory_space<hbm>>
      %dma_start3A_11 = tpu.memref_slice %arg2[%mul3A_2] : memref<262144xf32, #tpu.memory_space<hbm>> -> memref<8192xf32, #tpu.memory_space<hbm>>
      tpu.enqueue_dma source(%dma_start3A_11 : memref<8192xf32, #tpu.memory_space<hbm>>) target(%arg4 : memref<8192xf32, #tpu.memory_space<vmem>>) target_semaphore(%run_scoped3A : memref<!tpu.dma_semaphore, #tpu.memory_space<semaphore_mem>>)
      %dma_wait3A = tpu.memref_slice %arg2[%mul3A_2] : memref<262144xf32, #tpu.memory_space<hbm>> -> memref<8192xf32, #tpu.memory_space<hbm>>
      %dma_wait3A_12 = tpu.memref_slice %arg2[%mul3A_2] : memref<262144xf32, #tpu.memory_space<hbm>> -> memref<8192xf32, #tpu.memory_space<hbm>>
      tpu.wait_dma2 semaphore(%run_scoped3A : memref<!tpu.dma_semaphore, #tpu.memory_space<semaphore_mem>>) src(%dma_wait3A_12 : memref<8192xf32, #tpu.memory_space<hbm>>) dst(%arg4 : memref<8192xf32, #tpu.memory_space<vmem>>)
      tpu.yield
    }) : () -> ()
    %iota3A = tpu.iota {dimensions = array<i32: 0>} : vector<16xi32>
    %scan3A = arith.constant 0 : i32
    %scan3A_3 = arith.constant 0 : i32
    %scan3A_4 = arith.constant 32 : i32
    %scan3A_5 = arith.addi %scan3A_3, %scan3A_4 : i32
    %scan3A_6 = arith.constant 1 : i32
    %scan3A_7 = scf.for %scan3A_11 = %scan3A_3 to %scan3A_5 step %scan3A_6 iter_args(%scan3A_12 = %scan3A) -> (i32)  : i32 {
      %mul3A_13 = arith.constant 16 : i32
      %mul3A_14 = arith.muli %scan3A_11, %mul3A_13 : i32
      %add3A_15 = vector.broadcast %mul3A_14 : i32 to vector<16xi32>
      %add3A_16 = arith.addi %iota3A, %add3A_15 : vector<16xi32>
      %mul3A_17 = arith.constant 16 : i32
      %mul3A_18 = vector.broadcast %mul3A_17 : i32 to vector<16xi32>
      %mul3A_19 = arith.muli %add3A_16, %mul3A_18 : vector<16xi32>
      %add3A_20 = arith.constant 15 : i32
      %add3A_21 = vector.broadcast %add3A_20 : i32 to vector<16xi32>
      %add3A_22 = arith.addi %mul3A_19, %add3A_21 : vector<16xi32>
      %gather3A = tpu.vector_load_idx %arg4[%add3A_22] : memref<8192xf32, #tpu.memory_space<vmem>>[vector<16xi32>], vector<16xf32>,
      %mul3A_23 = arith.constant 16 : i32
      %mul3A_24 = arith.muli %scan3A_11, %mul3A_23 : i32
      %swap3A = arith.index_cast %mul3A_24 : i32 to index
      %swap3A_25 = tpu.vector_load %arg5[%swap3A] {strides = array<i32>} : memref<512xf32, #tpu.memory_space<vmem>>, vector<16xf32>,
      tpu.vector_store %arg5[%swap3A], %gather3A {strides = array<i32>} : memref<512xf32, #tpu.memory_space<vmem>>, vector<16xf32>,
      %scan3A_26 = arith.constant 0 : i32
      scf.yield %scan3A_26 : i32
    }
    %scan3A_8 = arith.constant 32 : i32
    %mul3A_9 = arith.constant 512 : i32
    %mul3A_10 = arith.muli %add3A, %mul3A_9 : i32
    "tpu.region"() ({
      %run_scoped3A = tpu.sem_alloc : memref<!tpu.dma_semaphore, #tpu.memory_space<semaphore_mem>>
      %dma_start3A = tpu.memref_slice %arg3[%mul3A_10] : memref<16384xf32, #tpu.memory_space<hbm>> -> memref<512xf32, #tpu.memory_space<hbm>>
      %dma_start3A_11 = tpu.memref_slice %arg3[%mul3A_10] : memref<16384xf32, #tpu.memory_space<hbm>> -> memref<512xf32, #tpu.memory_space<hbm>>
      tpu.enqueue_dma source(%arg5 : memref<512xf32, #tpu.memory_space<vmem>>) target(%dma_start3A_11 : memref<512xf32, #tpu.memory_space<hbm>>) target_semaphore(%run_scoped3A : memref<!tpu.dma_semaphore, #tpu.memory_space<semaphore_mem>>)
      %dma_wait3A = tpu.memref_slice %arg3[%mul3A_10] : memref<16384xf32, #tpu.memory_space<hbm>> -> memref<512xf32, #tpu.memory_space<hbm>>
      %dma_wait3A_12 = tpu.memref_slice %arg3[%mul3A_10] : memref<16384xf32, #tpu.memory_space<hbm>> -> memref<512xf32, #tpu.memory_space<hbm>>
      tpu.wait_dma2 semaphore(%run_scoped3A : memref<!tpu.dma_semaphore, #tpu.memory_space<semaphore_mem>>) src(%arg5 : memref<512xf32, #tpu.memory_space<vmem>>) dst(%dma_wait3A_12 : memref<512xf32, #tpu.memory_space<hbm>>)
      tpu.yield
    }) : () -> ()
    return
  }
}

</mosaic_0001>

<sc_bundles>
// kernel: kernel.4.cloned.1.call-start
scs
__scs_entry_jumppad:
0x0: {  	(pc) =	sbr.rel $0x88, $3  }
0x1: {  	(tag) =	ssettag $0x0;
	lr =	simm.s32 $0x1  }
0x2: {  	[smem:$0x3F9E] =	sst lr;
	_ =	strace $0xD0000000  }
0x3: {  	_ = 	snop  }
0x4: {  	_ = 	snop  }
0x5: {  	_ = 	snop  }
0x6: {  	_ = 	snop  }
0x7: {  	_ = 	snop  }
__scs_overlays_trampoline_lowered:
0x8: {  	[smem:$0x3FAD] =	sst s0  }
0x9: {  	[smem:$0x3FAE] =	sst s1  }
0xa: {  	[smem:$0x3FAF] =	sst s2  }
0xb: {  	[smem:$0x3FB0] =	sst s3  }
0xc: {  	[smem:$0x3FB1] =	sst s4  }
0xd: {  	[smem:$0x3FB2] =	sst s5  }
0xe: {  	[smem:$0x3FB3] =	sst s6  }
0xf: {  	[smem:$0x3FB4] =	sst s7  }
0x10: {  	[smem:$0x3FB5] =	sst s8  }
0x11: {  	[smem:$0x3FB6] =	sst s9;
	s0 =	simm.s32 @!p0 $0x0  }
0x12: {  	s1 =	sld [smem:$0x3F9C];
	s0 =	simm.s32 @p0 $0x1  }
0x13: {  	[smem:$0x3FB7] =	sst s0;
	s0 =	simm.s32 @!p1 $0x0  }
0x14: {  	s2 =	sld [smem:$0x3F9B];
	s0 =	simm.s32 @p1 $0x1  }
0x15: {  	[smem:$0x3FB8] =	sst s0;
	s0 =	simm.s32 @!p2 $0x0  }
0x16: {  	s3 =	sld [smem:$0x3FDB];
	s0 =	simm.s32 @p2 $0x1  }
0x17: {  	s4 =	simm.s32 $0x1BF5;
	[smem:$0x3FBA] =	sst s0  }
0x18: {  	s0 =	sld [smem:$0x3F9D];
	_ =	swait.ge [sflag:s4], $0x0  }
0x19: {  	s7 =	sld [smem:$0x3F9E]  }
0x1a: {  	s8 =	sadd.s32 $0xFFFFE003, lr  }
0x1b: {  	s9 =	sadd.s32 $0xFFFFFEF7, lr;
	s5 =	simm.s32 $0xFFFFFFFF;
	p2 =	slt.u32 s8, $0xFFFFF086  }
0x1c: {  	p1 =	slt.u32 s9, $0xF7A;
	s5 =	simm.s32 @!p2 $0x0  }
0x1d: {  	s5 =	simm.s32 @p1 $0x1;
	p0 =	seq.s32 s7, s2  }
0x1e: {  	s7 =	smul.u32 @!p0 $0xF7A, s2;
	p2 =	seq.s32 @!p0 s5, $0x0  }
0x1f: {  	s9 =	smul.u32 $0xF7A, s1;
	s8 =	simm.s32 @!p0 $0x1BF5;
	p2 =	por !p2, p0  }
0x20: {  	[sflag:s8] =	ssyncset.s32 @!p0 $0xFFFFF086;
	s6 =	sadd.s32 @!p0 s3, s7;
	s7 =	simm.s32 @!p0 $0x108  }
0x21: {  	s3 =	sadd.s32 s3, s9;
	s6 =	sadd.s32 @!p0 $0x88, s6;
	s7 =	simm.s32 @p2 $0x1082  }
0x22: {  	[simem:s7], [sflag:s8] =	dma.local @!p0 [hbm:s6], $0xF7A  }
0x23: {  	s9 =	sor.u32 $0xD0000000, s2;
	s6 =	simm.s32 $0x108;
	_ =	swait.ge @!p0 [sflag:s8], $0x0  }
0x24: {  	s3 =	sadd.s32 $0x88, s3;
	s6 =	simm.s32 @!p1 $0x1082;
	[sflag:s4] =	ssyncset.s32 $0xFFFFF086  }
0x25: {  	[simem:s6], [sflag:s4] =	dma.local [hbm:s3], $0xF7A  }
0x26: {  	[smem:$0x3F9E] =	sst s1;
	(tag) =	ssettag s2;
	_ =	strace s9  }
0x27: {  	s1 =	sld [smem:$0x3FAE]  }
0x28: {  	s2 =	sld [smem:$0x3FAF]  }
0x29: {  	s4 =	sld [smem:$0x3FB1]  }
0x2a: {  	p0 =	seq.s32 s5, $0x0;
	s5 =	sld [smem:$0x3FB2]  }
0x2b: {  	s6 =	sld [smem:$0x3FB3]  }
0x2c: {  	s7 =	sld [smem:$0x3FB4]  }
0x2d: {  	s3 =	simm.s32 $0x108;
	s8 =	sld [smem:$0x3FB5]  }
0x2e: {  	s3 =	simm.s32 @!p0 $0x1082;
	s9 =	sld [smem:$0x3FB6]  }
0x2f: {  	lr =	sadd.s32 s0, s3;
	s0 =	sld [smem:$0x3FAD]  }
0x30: {  	s3 =	sld [smem:$0x3FB0]  }
0x31: {  	[smem:$0x3FB9] =	sst s10  }
0x32: {  	s10 =	sld [smem:$0x3FB7];
	_ =	sdelay $0x3  }
0x33: {  	p0 =	seq.s32 s10, $0x1;
	s10 =	sld [smem:$0x3FB9];
	_ =	sdelay $0x3  }
0x34: {  	[smem:$0x3FB9] =	sst s10  }
0x35: {  	s10 =	sld [smem:$0x3FB8];
	_ =	sdelay $0x3  }
0x36: {  	p1 =	seq.s32 s10, $0x1;
	s10 =	sld [smem:$0x3FB9];
	_ =	sdelay $0x3  }
0x37: {  	[smem:$0x3FB9] =	sst s10  }
0x38: {  	s10 =	sld [smem:$0x3FBA]  }
0x39: {  	_ = 	snop;
	(pc) =	sbr.ind lr, $3  }
0x3a: {  	_ = 	snop  }
0x3b: {  	_ = 	snop  }
0x3c: {  	p2 =	seq.s32 s10, $0x1;
	s10 =	sld [smem:$0x3FB9]  }
0x3d: {  	_ =	shalt  }
0x3e: {  	_ =	shalt  }
0x3f: {  	_ =	shalt  }
0x40: {  	_ =	shalt  }
0x41: {  	_ =	shalt  }
0x42: {  	_ =	shalt  }
0x43: {  	_ =	shalt  }
0x44: {  	_ =	shalt  }
0x45: {  	_ =	shalt  }
0x46: {  	_ =	shalt  }
0x47: {  	_ =	shalt  }
0x48: {  	_ =	shalt  }
0x49: {  	_ =	shalt  }
0x4a: {  	_ =	shalt  }
0x4b: {  	_ =	shalt  }
0x4c: {  	_ =	shalt  }
0x4d: {  	_ =	shalt  }
0x4e: {  	_ =	shalt  }
0x4f: {  	_ =	shalt  }
0x50: {  	_ =	shalt  }
0x51: {  	_ =	shalt  }
0x52: {  	_ =	shalt  }
0x53: {  	_ =	shalt  }
0x54: {  	_ =	shalt  }
0x55: {  	_ =	shalt  }
0x56: {  	_ =	shalt  }
0x57: {  	_ =	shalt  }
0x58: {  	_ =	shalt  }
0x59: {  	_ =	shalt  }
0x5a: {  	_ =	shalt  }
0x5b: {  	_ =	shalt  }
0x5c: {  	_ =	shalt  }
0x5d: {  	_ =	shalt  }
0x5e: {  	_ =	shalt  }
0x5f: {  	_ =	shalt  }
0x60: {  	_ =	shalt  }
0x61: {  	_ =	shalt  }
0x62: {  	_ =	shalt  }
0x63: {  	_ =	shalt  }
0x64: {  	_ =	shalt  }
0x65: {  	_ =	shalt  }
0x66: {  	_ =	shalt  }
0x67: {  	_ =	shalt  }
0x68: {  	_ =	shalt  }
0x69: {  	_ =	shalt  }
0x6a: {  	_ =	shalt  }
0x6b: {  	_ =	shalt  }
0x6c: {  	_ =	shalt  }
0x6d: {  	_ =	shalt  }
0x6e: {  	_ =	shalt  }
0x6f: {  	_ =	shalt  }
0x70: {  	_ =	shalt  }
0x71: {  	_ =	shalt  }
0x72: {  	_ =	shalt  }
0x73: {  	_ =	shalt  }
0x74: {  	_ =	shalt  }
0x75: {  	_ =	shalt  }
0x76: {  	_ =	shalt  }
0x77: {  	_ =	shalt  }
0x78: {  	_ =	shalt  }
0x79: {  	_ =	shalt  }
0x7a: {  	_ =	shalt  }
0x7b: {  	_ =	shalt  }
0x7c: {  	_ =	shalt  }
0x7d: {  	_ =	shalt  }
0x7e: {  	_ =	shalt  }
0x7f: {  	_ =	shalt  }
0x80: {  	_ =	shalt  }
0x81: {  	_ =	shalt  }
0x82: {  	_ =	shalt  }
0x83: {  	_ =	shalt  }
0x84: {  	_ =	shalt  }
0x85: {  	_ =	shalt  }
0x86: {  	_ =	shalt  }
0x87: {  	_ =	shalt  }
.Lfunc_end0:
.L_simem_size_0:
called_computation.1_lowered:
.L_overlay_start_0:
0x88: {  	s2 =	sld [smem:$0x3FD9]  }
0x89: {  	s3 =	sld [smem:$0x3FFE];
	_ =	sdelay $0x1  }
0x8a: {  	s1 =	srdreg.scid  }
0x8b: {  	s0 =	sand.u32 $0x1, s1  }
0x8c: {  	s16 =	sshll.u32 s0, $0xA;
	s2 =	sadd.s32 s3, s2  }
0x8d: {  	s2 =	sadd.s32 s2, s16  }
0x8e: {  	[smem:$0x3FC5] =	sst s2  }
0x8f: {  	_ = 	snop  }
0x90: {  	(tm) =	ssettm $0x1  }
0x91: {  	s17 =	sld [smem:$0x3FFB];
	_ =	sdelay $0x3  }
0x92: {  	_ =	strace s17  }
0x93: {  	s2 =	sld [smem:$0x3FFC];
	_ =	sdelay $0x3  }
0x94: {  	_ =	strace s2  }
0x95: {  	s2 =	sld [smem:$0x3FFD];
	_ =	sdelay $0x3  }
0x96: {  	_ =	strace s2  }
0x97: {  	_ =	strace $0x8FFFFFFF  }
0x98: {  	s18 =	sld [smem:$0x3FDB];
	_ =	sdelay $0x1  }
0x99: {  	s19 =	simm.s32 $_scs_section_size  }
0x9a: {  	s4 =	simm.s32 $_size__tile_overlayer_lowered;
	s5 =	simm.s32 $_tile_overlayer_lowered  }
0x9b: {  	s22 =	simm.s32 $0x1BFF;
	s21 =	sshll.u32 s5, $0x1;
	s2 =	sadd.s32 s19, s18  }
0x9c: {  	s6 =	simm.s32 $0x0;
	s20 =	sshll.u32 s4, $0x1;
	s4 =	sadd.s32 s21, s2  }
0x9d: {  	[timem:s6], [sflag:s22] =	dma.local [hbm:s4], s20  }
0x9e: {  	_ =	swait.ge [sflag:s22], s20  }
0x9f: {  	s3 =	ssub.s32 $0x0, s20;
	[sflag:s22] =	ssyncset.done $0x0  }
0xa0: {  	[sflag:s22] =	ssyncadd.s32 s3;
	_ =	sdelay $0x1  }
0xa1: {  	s23 =	simm.s32 $0x1B8B  }
0xa2: {  	_ =	swait.ge [sflag:s23], $0x1  }
0xa3: {  	[sflag:s23] =	ssyncset.done $0x0  }
0xa4: {  	s25 =	simm.s32 $0x1B8E;
	s24 =	sld [smem:$0x3FFE];
	[sflag:s23] =	ssyncadd.s32 $0xFFFFFFFF  }
0xa5: {  	s26 =	simm.s32 $execute0_lowered;
	[smem:$0x3FD2] =	sst s25  }
0xa6: {  	s4 =	sshll.u32 s26, $0x1;
	_ =	strace $0x80000046;
	[dreg:$0x1] =	wrdreg $0xFFFFFFFF  }
0xa7: {  	s28 =	simm.s32 $_size_execute0_lowered;
	s2 =	sadd.s32 s2, s4;
	[dreg:$0x0] =	wrdreg $0x0  }
0xa8: {  	s4 =	sshll.u32 s28, $0x1;
	[dreg:$0x2] =	wrdreg s2  }
0xa9: {  	[dreg:$0x3] =	wrdreg s4  }
0xaa: {  	[dreg:$0x4] =	wrdreg $0xC0  }
0xab: {  	_ =	task [dreg:s6], $0x5FFFF  }
0xac: {  	[dreg:$0x1] =	wrdreg $0xFFFFFFFF  }
0xad: {  	[dreg:$0x0] =	wrdreg $0x60  }
0xae: {  	[dreg:$0x2] =	wrdreg s24  }
0xaf: {  	[dreg:$0x3] =	wrdreg $0x9  }
0xb0: {  	_ =	task.clear_ibuf [dreg:s6], $0x4FFFF;
	_ =	strace $0x90000046  }
0xb1: {  	s29 =	simm.s32 $0x9;
	_ =	strace $0x80000048  }
0xb2: {  	_ =	swait.ge [sflag:s29], $0x1  }
0xb3: {  	[sflag:s29] =	ssyncadd.s32 $0xFFFFFFFF  }
0xb4: {  	_ =	strace $0x90000048  }
0xb5: {  	_ =	sfence  }
0xb6: {  	s30 =	sld [smem:$0x0];
	_ =	sdelay $0x2  }
0xb7: {  	s31 =	sshll.u32 s1, $0xD;
	s1 =	sshrl.u32 s1, $0x2  }
0xb8: {  	s3 =	sand.u32 $0x4000, s31;
	s1 =	sadd.s32 s1, s30  }
0xb9: {  	s0 =	sor.u32 s3, s0;
	s1 =	sshll.u32 s1, $0x11  }
0xba: {  	s0 =	sor.u32 s1, s0  }
0xbb: {  	s0 =	sadd.s32 $0x8F2B, s0  }
0xbc: {  	[sflag:s0] =	ssyncadd.remote.s32 $0x1  }
0xbd: {  	_ =	sfence.sel $0xFFFF  }
0xbe: {  	[dreg:$0x0] =	wrdreg $0xFFFFFFFF;
	(pc) =	sbr.abs _section_cstart, $3  }
0xbf: {  	[dreg:$0x1] =	wrdreg $0xFFFFFFFF  }
0xc0: {  	_ =	task.clear_ibuf [dreg:s6], $0x2FFFF;
	_ =	strace $0x9FFFFFFF  }
0xc1: {  	(tm) =	ssettm $0x7FFFFFFF  }
tec
execute0_lowered:
.L_overlay_start_1:
0x0: {  	(tag) =	ssettag $0x1  }
0x1: {  	s3 =	rddreg [dreg:$0x0]  }
0x2: {  	s0 =	rddreg [dreg:$0x1]  }
0x3: {  	s2 =	simm.s32 $0x0;
	s4 =	srdreg.scid;
	s1 =	stileid.u32  }
0x4: {  	[smem:$0x7FF] =	sst s2;
	s4 =	sand.u32 $0x1, s4;
	s5 =	sshll.u32 s1, $0x1  }
0x5: {  	s8 =	simm.s32 $0x0;
	_ =	strace $0x80000047;
	s5 =	sor.u32 s4, s5  }
0x6: {  	s4 =	ssub.s32 $0x2, s4;
	s6 =	sshll.u32 s5, $0xA;
	s5 =	sshll.u32 s5, $0x6  }
0x7: {  	s7 =	sshrl.u32 s4, $0x1;
	s6 =	sadd.s32 s6, s3;
	s5 =	sadd.s32 s5, s3  }
0x8: {  	v0 =	vlaneseq.u32;
	s7 =	ssub.s32 s4, s7;
	s3 =	sadd.s32 $0x200, s6;
	s4 =	sadd.s32 $0x8200, s5  }
0x9: {  	v0 =	vmul.u32 $0x10, v0;
	s5 =	smax.u32 s7, $0x1;
	s6 =	simm.s32 $0x1;
	s7 =	simm.s32 $0x2000  }
.LBB2_1:
0xa: {  	v1 =	vmov s2  }
0xb: {  	v1 =	vshll.u32 v1, $0x4  }
0xc: {  	v1 =	vor.u32 v0, v1  }
0xd: {  	v1 =	vor.u32 $0xF, v1  }
0xe: {  	[tilespmem:s2], [sflag:$0x1] =	stream.linear.gather [hbm4b:s3+s2], $0x2000, $0x38;
	[tilespmem:$0x2200] =	vst v63  }
0xf: {  	_ =	swait.ge [sflag:s6], $0x2000  }
0x10: {  	[sflag:s6] =	ssyncset.done $0x0  }
0x11: {  	s9 =	simm.s32 $0x10;
	[sflag:s6] =	ssyncadd.s32 $0xFFFFE000  }
0x12: {  	v3 =	vld.idx.msk [tilespmem:v1+s2+$0x0], $0xffff;
	v1 =	vmov s9  }
0x13: {  	v1 =	vshll.u32 v1, $0x4  }
0x14: {  	v1 =	vor.u32 v0, v1  }
0x15: {  	v1 =	vor.u32 $0xF, v1;
	_ =	sdelay $0x2  }
0x16: {  	s31 =	simm.s32 $0x20  }
0x17: {  	s10 =	simm.s32 $0x30;
	v2 =	vmov s31;
	s9 =	simm.s32 $0x2000;
	[tilespmem:s7+$0x0] =	vst v3  }
.LBB2_2:
0x18: {  	p0 =	sne.s32 s10, $0x1F0;
	v2 =	vshll.u32 v2, $0x4;
	v3 =	vld.idx.msk [tilespmem:v1+s2+$0x0], $0xffff  }
0x19: {  	v1 =	vor.u32 v0, v2  }
.Ltmp0:
0x1a: {  	v1 =	vor.u32 $0xF, v1;
	(pc) =	sbr.rel @p0 .LBB2_2-.Ltmp0, $3  }
0x1b: {  	_ =	sdelay $0x1  }
0x1c: {  	s9 =	sadd.s32 $0x10, s9  }
0x1d: {  	v2 =	vmov s10;
	s10 =	sadd.s32 $0x10, s10;
	[tilespmem:s9+$0x0] =	vst v3  }
0x1e: {  	_ =	sdelay $0x2  }
0x1f: {  	v2 =	vshll.u32 v2, $0x4  }
0x20: {  	v1 =	vld.idx.msk [tilespmem:v1+s2+$0x0], $0xffff;
	v2 =	vor.u32 v0, v2  }
0x21: {  	v2 =	vor.u32 $0xF, v2;
	_ =	sdelay $0x2  }
0x22: {  	s9 =	sadd.s32 $0x10, s9  }
0x23: {  	[tilespmem:s9+$0x0] =	vst v1  }
0x24: {  	v1 =	vld.idx.msk [tilespmem:v2+s2+$0x0], $0xffff;
	_ =	sdelay $0x2  }
0x25: {  	s8 =	sadd.s32 $0x1, s8  }
0x26: {  	p0 =	sne.s32 s8, s5;
	s9 =	sadd.s32 $0x10, s9  }
.Ltmp1:
0x27: {  	[tilespmem:s9+$0x0] =	vst v1;
	(pc) =	sbr.rel @p0 .LBB2_1-.Ltmp1, $4  }
0x28: {  	[hbm4b:s4+s2] =	stream.linear.scatter [tilespmem:s7], [sflag:$0x1], $0x200, $0x38;
	[tilespmem:$0x2200] =	vst v63  }
0x29: {  	_ =	swait.ge [sflag:s6], $0x200  }
0x2a: {  	[sflag:s6] =	ssyncset.done $0x0  }
0x2b: {  	[sflag:s6] =	ssyncadd.s32 $0xFFFFFE00  }
0x2c: {  	_ =	sfence.sel $0x180000  }
0x2d: {  	[bflag:$0x0] =	sbarrier.arrive $0xFFFF  }
0x2e: {  	p0 =	sne.s32 s1, $0x0;
	_ =	strace $0x90000047  }
0x2f: {  	s0 =	sadd.s32 @!p0 $0x100000, s0;
	[bflag:$0x2] =	sbarrier.arrive $0xFFFF  }
0x30: {  	[sflag:s0] =	ssyncadd.tile.s32 @!p0 $0x1;
	_ =	shalt  }
.Lfunc_end2:
_tile_overlayer_lowered:
.L_overlay_start_2:
0x31: {  	(tag) =	ssettag $0x2  }
0x32: {  	s0 =	rddreg [dreg:$0x0];
	s2 =	stileid.u32  }
0x33: {  	s1 =	rddreg [dreg:$0x1];
	p0 =	sne.s32 s2, $0x0  }
0x34: {  	s3 =	rddreg [dreg:$0x2];
	[bflag:$0x3] =	sbarrier.arrive $0xFFFF;
	s2 =	simm.s32 @!p0 $0x1C01  }
0x35: {  	[timem:s3], [sflag:s2] =	dma.local @!p0 [hbm:s0], s1  }
0x36: {  	s0 =	simm.s32 @!p0 $0x1  }
0x37: {  	_ =	swait.ge @!p0 [sflag:s0], s1  }
0x38: {  	s1 =	ssub.s32 @!p0 $0x0, s1;
	[sflag:s0] =	ssyncset.done @!p0 $0x0  }
0x39: {  	[sflag:s0] =	ssyncadd.s32 @!p0 s1  }
0x3a: {  	[bflag:$0x3] =	sbarrier.arrive $0xFFFF  }
0x3b: {  	_ =	shalt  }

// kernel: kernel.7.cloned.1.call-start
scs
__scs_entry_jumppad:
0x0: {  	(pc) =	sbr.rel $0x88, $3  }
0x1: {  	(tag) =	ssettag $0x0;
	lr =	simm.s32 $0x1  }
0x2: {  	[smem:$0x3F9E] =	sst lr;
	_ =	strace $0xD0000000  }
0x3: {  	_ = 	snop  }
0x4: {  	_ = 	snop  }
0x5: {  	_ = 	snop  }
0x6: {  	_ = 	snop  }
0x7: {  	_ = 	snop  }
__scs_overlays_trampoline_lowered:
0x8: {  	[smem:$0x3FAD] =	sst s0  }
0x9: {  	[smem:$0x3FAE] =	sst s1  }
0xa: {  	[smem:$0x3FAF] =	sst s2  }
0xb: {  	[smem:$0x3FB0] =	sst s3  }
0xc: {  	[smem:$0x3FB1] =	sst s4  }
0xd: {  	[smem:$0x3FB2] =	sst s5  }
0xe: {  	[smem:$0x3FB3] =	sst s6  }
0xf: {  	[smem:$0x3FB4] =	sst s7  }
0x10: {  	[smem:$0x3FB5] =	sst s8  }
0x11: {  	[smem:$0x3FB6] =	sst s9;
	s0 =	simm.s32 @!p0 $0x0  }
0x12: {  	s1 =	sld [smem:$0x3F9C];
	s0 =	simm.s32 @p0 $0x1  }
0x13: {  	[smem:$0x3FB7] =	sst s0;
	s0 =	simm.s32 @!p1 $0x0  }
0x14: {  	s2 =	sld [smem:$0x3F9B];
	s0 =	simm.s32 @p1 $0x1  }
0x15: {  	[smem:$0x3FB8] =	sst s0;
	s0 =	simm.s32 @!p2 $0x0  }
0x16: {  	s3 =	sld [smem:$0x3FDB];
	s0 =	simm.s32 @p2 $0x1  }
0x17: {  	s4 =	simm.s32 $0x1BF5;
	[smem:$0x3FBA] =	sst s0  }
0x18: {  	s0 =	sld [smem:$0x3F9D];
	_ =	swait.ge [sflag:s4], $0x0  }
0x19: {  	s7 =	sld [smem:$0x3F9E]  }
0x1a: {  	s8 =	sadd.s32 $0xFFFFE003, lr  }
0x1b: {  	s9 =	sadd.s32 $0xFFFFFEF7, lr;
	s5 =	simm.s32 $0xFFFFFFFF;
	p2 =	slt.u32 s8, $0xFFFFF086  }
0x1c: {  	p1 =	slt.u32 s9, $0xF7A;
	s5 =	simm.s32 @!p2 $0x0  }
0x1d: {  	s5 =	simm.s32 @p1 $0x1;
	p0 =	seq.s32 s7, s2  }
0x1e: {  	s7 =	smul.u32 @!p0 $0xF7A, s2;
	p2 =	seq.s32 @!p0 s5, $0x0  }
0x1f: {  	s9 =	smul.u32 $0xF7A, s1;
	s8 =	simm.s32 @!p0 $0x1BF5;
	p2 =	por !p2, p0  }
0x20: {  	[sflag:s8] =	ssyncset.s32 @!p0 $0xFFFFF086;
	s6 =	sadd.s32 @!p0 s3, s7;
	s7 =	simm.s32 @!p0 $0x108  }
0x21: {  	s3 =	sadd.s32 s3, s9;
	s6 =	sadd.s32 @!p0 $0x88, s6;
	s7 =	simm.s32 @p2 $0x1082  }
0x22: {  	[simem:s7], [sflag:s8] =	dma.local @!p0 [hbm:s6], $0xF7A  }
0x23: {  	s9 =	sor.u32 $0xD0000000, s2;
	s6 =	simm.s32 $0x108;
	_ =	swait.ge @!p0 [sflag:s8], $0x0  }
0x24: {  	s3 =	sadd.s32 $0x88, s3;
	s6 =	simm.s32 @!p1 $0x1082;
	[sflag:s4] =	ssyncset.s32 $0xFFFFF086  }
0x25: {  	[simem:s6], [sflag:s4] =	dma.local [hbm:s3], $0xF7A  }
0x26: {  	[smem:$0x3F9E] =	sst s1;
	(tag) =	ssettag s2;
	_ =	strace s9  }
0x27: {  	s1 =	sld [smem:$0x3FAE]  }
0x28: {  	s2 =	sld [smem:$0x3FAF]  }
0x29: {  	s4 =	sld [smem:$0x3FB1]  }
0x2a: {  	p0 =	seq.s32 s5, $0x0;
	s5 =	sld [smem:$0x3FB2]  }
0x2b: {  	s6 =	sld [smem:$0x3FB3]  }
0x2c: {  	s7 =	sld [smem:$0x3FB4]  }
0x2d: {  	s3 =	simm.s32 $0x108;
	s8 =	sld [smem:$0x3FB5]  }
0x2e: {  	s3 =	simm.s32 @!p0 $0x1082;
	s9 =	sld [smem:$0x3FB6]  }
0x2f: {  	lr =	sadd.s32 s0, s3;
	s0 =	sld [smem:$0x3FAD]  }
0x30: {  	s3 =	sld [smem:$0x3FB0]  }
0x31: {  	[smem:$0x3FB9] =	sst s10  }
0x32: {  	s10 =	sld [smem:$0x3FB7];
	_ =	sdelay $0x3  }
0x33: {  	p0 =	seq.s32 s10, $0x1;
	s10 =	sld [smem:$0x3FB9];
	_ =	sdelay $0x3  }
0x34: {  	[smem:$0x3FB9] =	sst s10  }
0x35: {  	s10 =	sld [smem:$0x3FB8];
	_ =	sdelay $0x3  }
0x36: {  	p1 =	seq.s32 s10, $0x1;
	s10 =	sld [smem:$0x3FB9];
	_ =	sdelay $0x3  }
0x37: {  	[smem:$0x3FB9] =	sst s10  }
0x38: {  	s10 =	sld [smem:$0x3FBA]  }
0x39: {  	_ = 	snop;
	(pc) =	sbr.ind lr, $3  }
0x3a: {  	_ = 	snop  }
0x3b: {  	_ = 	snop  }
0x3c: {  	p2 =	seq.s32 s10, $0x1;
	s10 =	sld [smem:$0x3FB9]  }
0x3d: {  	_ =	shalt  }
0x3e: {  	_ =	shalt  }
0x3f: {  	_ =	shalt  }
0x40: {  	_ =	shalt  }
0x41: {  	_ =	shalt  }
0x42: {  	_ =	shalt  }
0x43: {  	_ =	shalt  }
0x44: {  	_ =	shalt  }
0x45: {  	_ =	shalt  }
0x46: {  	_ =	shalt  }
0x47: {  	_ =	shalt  }
0x48: {  	_ =	shalt  }
0x49: {  	_ =	shalt  }
0x4a: {  	_ =	shalt  }
0x4b: {  	_ =	shalt  }
0x4c: {  	_ =	shalt  }
0x4d: {  	_ =	shalt  }
0x4e: {  	_ =	shalt  }
0x4f: {  	_ =	shalt  }
0x50: {  	_ =	shalt  }
0x51: {  	_ =	shalt  }
0x52: {  	_ =	shalt  }
0x53: {  	_ =	shalt  }
0x54: {  	_ =	shalt  }
0x55: {  	_ =	shalt  }
0x56: {  	_ =	shalt  }
0x57: {  	_ =	shalt  }
0x58: {  	_ =	shalt  }
0x59: {  	_ =	shalt  }
0x5a: {  	_ =	shalt  }
0x5b: {  	_ =	shalt  }
0x5c: {  	_ =	shalt  }
0x5d: {  	_ =	shalt  }
0x5e: {  	_ =	shalt  }
0x5f: {  	_ =	shalt  }
0x60: {  	_ =	shalt  }
0x61: {  	_ =	shalt  }
0x62: {  	_ =	shalt  }
0x63: {  	_ =	shalt  }
0x64: {  	_ =	shalt  }
0x65: {  	_ =	shalt  }
0x66: {  	_ =	shalt  }
0x67: {  	_ =	shalt  }
0x68: {  	_ =	shalt  }
0x69: {  	_ =	shalt  }
0x6a: {  	_ =	shalt  }
0x6b: {  	_ =	shalt  }
0x6c: {  	_ =	shalt  }
0x6d: {  	_ =	shalt  }
0x6e: {  	_ =	shalt  }
0x6f: {  	_ =	shalt  }
0x70: {  	_ =	shalt  }
0x71: {  	_ =	shalt  }
0x72: {  	_ =	shalt  }
0x73: {  	_ =	shalt  }
0x74: {  	_ =	shalt  }
0x75: {  	_ =	shalt  }
0x76: {  	_ =	shalt  }
0x77: {  	_ =	shalt  }
0x78: {  	_ =	shalt  }
0x79: {  	_ =	shalt  }
0x7a: {  	_ =	shalt  }
0x7b: {  	_ =	shalt  }
0x7c: {  	_ =	shalt  }
0x7d: {  	_ =	shalt  }
0x7e: {  	_ =	shalt  }
0x7f: {  	_ =	shalt  }
0x80: {  	_ =	shalt  }
0x81: {  	_ =	shalt  }
0x82: {  	_ =	shalt  }
0x83: {  	_ =	shalt  }
0x84: {  	_ =	shalt  }
0x85: {  	_ =	shalt  }
0x86: {  	_ =	shalt  }
0x87: {  	_ =	shalt  }
.Lfunc_end0:
.L_simem_size_0:
called_computation.2_lowered:
.L_overlay_start_0:
0x88: {  	s2 =	sld [smem:$0x3FD9]  }
0x89: {  	s3 =	sld [smem:$0x3FFE];
	_ =	sdelay $0x1  }
0x8a: {  	s1 =	srdreg.scid  }
0x8b: {  	s0 =	sand.u32 $0x1, s1  }
0x8c: {  	s17 =	sshll.u32 s0, $0xA;
	s2 =	sadd.s32 s3, s2  }
0x8d: {  	s2 =	sadd.s32 s2, s17  }
0x8e: {  	[smem:$0x3FC5] =	sst s2  }
0x8f: {  	_ = 	snop  }
0x90: {  	s2 =	sld [smem:$0x3FC7]  }
0x91: {  	s18 =	sld [smem:$0x3FD0];
	(tm) =	ssettm $0x1  }
0x92: {  	s4 =	sld [smem:$0x3FFB];
	_ =	sdelay $0x3  }
0x93: {  	_ =	strace s4  }
0x94: {  	s4 =	sld [smem:$0x3FFC];
	_ =	sdelay $0x3  }
0x95: {  	_ =	strace s4  }
0x96: {  	s4 =	sld [smem:$0x3FFD];
	_ =	sdelay $0x3  }
0x97: {  	_ =	strace s4  }
0x98: {  	_ =	strace $0x8FFFFFFF  }
0x99: {  	s19 =	sld [smem:$0x3FDB];
	_ =	sdelay $0x1  }
0x9a: {  	s5 =	simm.s32 $_scs_section_size  }
0x9b: {  	s6 =	simm.s32 $_size__tile_overlayer_lowered;
	s7 =	simm.s32 $_tile_overlayer_lowered  }
0x9c: {  	s22 =	simm.s32 $0x1BFF;
	s21 =	sshll.u32 s7, $0x1;
	s4 =	sadd.s32 s5, s19  }
0x9d: {  	s8 =	simm.s32 $0x0;
	s20 =	sshll.u32 s6, $0x1;
	s6 =	sadd.s32 s21, s4  }
0x9e: {  	[timem:s8], [sflag:s22] =	dma.local [hbm:s6], s20  }
0x9f: {  	_ =	swait.ge [sflag:s22], s20  }
0xa0: {  	s5 =	ssub.s32 $0x0, s20;
	[sflag:s22] =	ssyncset.done $0x0  }
0xa1: {  	[sflag:s22] =	ssyncadd.s32 s5;
	_ =	sdelay $0x1  }
0xa2: {  	s23 =	simm.s32 $0x1B8B  }
0xa3: {  	_ =	swait.ge [sflag:s23], $0x1  }
0xa4: {  	[sflag:s23] =	ssyncset.done $0x0  }
0xa5: {  	s25 =	simm.s32 $0x1B8E;
	s24 =	sld [smem:$0x3FFE];
	[sflag:s23] =	ssyncadd.s32 $0xFFFFFFFF  }
0xa6: {  	s26 =	simm.s32 $execute0_lowered;
	[smem:$0x3FD2] =	sst s25  }
0xa7: {  	s6 =	sshll.u32 s26, $0x1;
	_ =	strace $0x80000049;
	[dreg:$0x1] =	wrdreg $0xFFFFFFFF  }
0xa8: {  	s28 =	simm.s32 $_size_execute0_lowered;
	s4 =	sadd.s32 s4, s6;
	[dreg:$0x0] =	wrdreg $0x0  }
0xa9: {  	s6 =	sshll.u32 s28, $0x1;
	[dreg:$0x2] =	wrdreg s4  }
0xaa: {  	[dreg:$0x3] =	wrdreg s6  }
0xab: {  	[dreg:$0x4] =	wrdreg $0xC0  }
0xac: {  	_ =	task [dreg:s8], $0x5FFFF  }
0xad: {  	[dreg:$0x1] =	wrdreg $0xFFFFFFFF  }
0xae: {  	[dreg:$0x0] =	wrdreg $0x60  }
0xaf: {  	[dreg:$0x2] =	wrdreg s18  }
0xb0: {  	[dreg:$0x3] =	wrdreg s2  }
0xb1: {  	[dreg:$0x4] =	wrdreg s24  }
0xb2: {  	[dreg:$0x5] =	wrdreg $0x9  }
0xb3: {  	_ =	task.clear_ibuf [dreg:s8], $0x6FFFF;
	_ =	strace $0x90000049  }
0xb4: {  	s29 =	simm.s32 $0x9;
	_ =	strace $0x8000004B  }
0xb5: {  	_ =	swait.ge [sflag:s29], $0x1  }
0xb6: {  	[sflag:s29] =	ssyncadd.s32 $0xFFFFFFFF  }
0xb7: {  	_ =	strace $0x9000004B  }
0xb8: {  	_ =	sfence  }
0xb9: {  	s30 =	sld [smem:$0x0];
	_ =	sdelay $0x2  }
0xba: {  	s31 =	sshll.u32 s1, $0xD;
	s1 =	sshrl.u32 s1, $0x2  }
0xbb: {  	s3 =	sand.u32 $0x4000, s31;
	s1 =	sadd.s32 s1, s30  }
0xbc: {  	s0 =	sor.u32 s3, s0;
	s1 =	sshll.u32 s1, $0x11  }
0xbd: {  	s0 =	sor.u32 s1, s0  }
0xbe: {  	s0 =	sadd.s32 $0x8F2B, s0  }
0xbf: {  	[sflag:s0] =	ssyncadd.remote.s32 $0x1  }
0xc0: {  	_ =	sfence.sel $0xFFFF  }
0xc1: {  	[dreg:$0x0] =	wrdreg $0xFFFFFFFF;
	(pc) =	sbr.abs _section_cstart, $3  }
0xc2: {  	[dreg:$0x1] =	wrdreg $0xFFFFFFFF  }
0xc3: {  	_ =	task.clear_ibuf [dreg:s8], $0x2FFFF;
	_ =	strace $0x9FFFFFFF  }
0xc4: {  	(tm) =	ssettm $0x7FFFFFFF  }
0xc5: {  	_ =	shalt  }
tec
execute0_lowered:
.L_overlay_start_1:
0x0: {  	(tag) =	ssettag $0x1  }
0x1: {  	s1 =	rddreg [dreg:$0x0]  }
0x2: {  	s6 =	rddreg [dreg:$0x1]  }
0x3: {  	s7 =	rddreg [dreg:$0x2]  }
0x4: {  	s0 =	rddreg [dreg:$0x3];
	s3 =	simm.s32 $0x0  }
0x5: {  	s2 =	stileid.u32;
	s9 =	srdreg.scid;
	s13 =	simm.s32 $0x1  }
0x6: {  	s14 =	simm.s32 $0xA800;
	s15 =	simm.s32 $0x2;
	s16 =	simm.s32 $0xC800  }
0x7: {  	s17 =	simm.s32 $0x0;
	[smem:$0x7FF] =	sst s3;
	s4 =	sadd.s32 $0x8A00, s7  }
0x8: {  	s8 =	sshll.u32 s2, $0x11;
	s5 =	sadd.s32 $0x8200, s7;
	s31 =	sand.u32 $0x1, s9  }
0x9: {  	s10 =	sshll.u32 s2, $0xE;
	_ =	strace $0x8000004A;
	s7 =	sadd.s32 s8, s7  }
0xa: {  	v0 =	vimm.s32 $0x1FFF;
	s9 =	ssub.s32 $0x2, s31;
	s11 =	sshll.u32 s31, $0xD;
	s8 =	sshll.u32 s31, $0x10  }
0xb: {  	s12 =	sshrl.u32 s9, $0x1;
	s10 =	sor.u32 s11, s10;
	s8 =	sadd.s32 s8, s7  }
0xc: {  	s11 =	simm.s32 $0x80;
	s9 =	ssub.s32 s9, s12;
	s10 =	sshrl.u32 s10, $0x3  }
0xd: {  	v2 =	vlaneseq.u32;
	s8 =	sadd.s32 $0x10A00, s8;
	s12 =	simm.s32 $0xA000;
	s6 =	sadd.s32 s6, s10  }
0xe: {  	v1 =	vimm.s32 $0x0;
	v2 =	vmul.u32 $0x10, v2;
	s7 =	smax.u32 s9, $0x1;
	s9 =	simm.s32 $0x3;
	s10 =	simm.s32 $0x2000  }
.LBB2_1:
0xf: {  	[tilespmem:s3], [sflag:$0x3] =	stream.linear.gather [hbm4b:s6+s3], $0x2000, $0x38;
	[tilespmem:$0xE800] =	vst v63  }
0x10: {  	_ =	swait.ge [sflag:s9], $0x2000  }
0x11: {  	[sflag:s9] =	ssyncset.done $0x0  }
0x12: {  	[sflag:s9] =	ssyncadd.s32 $0xFFFFE000  }
0x13: {  	[tilespmem:s10], [sflag:$0x3] =	stream.linear.gather [hbm4b:s5+s3], $0x4000, $0x38;
	[tilespmem:$0xE800] =	vst v63  }
0x14: {  	_ =	swait.ge [sflag:s9], $0x4000  }
0x15: {  	[sflag:s9] =	ssyncset.done $0x0  }
0x16: {  	s18 =	simm.s32 $0x0;
	[sflag:s9] =	ssyncadd.s32 $0xFFFFC000  }
.LBB2_2:
0x17: {  	s19 =	sshra.s32 s18, $0x2;
	v4 =	vld.idx.msk [tilespmem:v0+s10+$0x0], $0xffff  }
0x18: {  	v3 =	vld [tilespmem:s19+$0x0];
	_ =	sdelay $0x4  }
0x19: {  	vm0 =	vlt.f32 v4, v3  }
0x1a: {  	v4 =	vsel vm0, $0x2000, v1  }
0x1b: {  	v5 =	vor.u32 $0xFFF, v4;
	_ =	sdelay $0x4  }
0x1c: {  	v5 =	vld.idx.msk [tilespmem:v5+s10+$0x0], $0xffff;
	_ =	sdelay $0x4  }
0x1d: {  	vm15 =	vlt.f32 v5, v3  }
0x1e: {  	v5 =	vsel vm15, $0x1000, v1  }
0x1f: {  	v4 =	vor.u32 v4, v5  }
0x20: {  	v5 =	vor.u32 $0x7FF, v4;
	_ =	sdelay $0x4  }
0x21: {  	v5 =	vld.idx.msk [tilespmem:v5+s10+$0x0], $0xffff;
	_ =	sdelay $0x4  }
0x22: {  	vm4 =	vlt.f32 v5, v3  }
0x23: {  	v5 =	vsel vm4, $0x800, v1  }
0x24: {  	v4 =	vor.u32 v5, v4  }
0x25: {  	v5 =	vor.u32 $0x3FF, v4;
	_ =	sdelay $0x4  }
0x26: {  	v5 =	vld.idx.msk [tilespmem:v5+s10+$0x0], $0xffff;
	_ =	sdelay $0x4  }
0x27: {  	vm5 =	vlt.f32 v5, v3  }
0x28: {  	v5 =	vsel vm5, $0x400, v1  }
0x29: {  	v4 =	vor.u32 v5, v4  }
0x2a: {  	v5 =	vor.u32 $0x1FF, v4;
	_ =	sdelay $0x4  }
0x2b: {  	v5 =	vld.idx.msk [tilespmem:v5+s10+$0x0], $0xffff;
	_ =	sdelay $0x4  }
0x2c: {  	vm6 =	vlt.f32 v5, v3  }
0x2d: {  	v5 =	vsel vm6, $0x200, v1  }
0x2e: {  	v4 =	vor.u32 v5, v4  }
0x2f: {  	v5 =	vor.u32 $0xFF, v4;
	_ =	sdelay $0x4  }
0x30: {  	v5 =	vld.idx.msk [tilespmem:v5+s10+$0x0], $0xffff;
	_ =	sdelay $0x4  }
0x31: {  	vm7 =	vlt.f32 v5, v3  }
0x32: {  	v5 =	vsel vm7, $0x100, v1  }
0x33: {  	v4 =	vor.u32 v5, v4  }
0x34: {  	v5 =	vor.u32 $0x7F, v4;
	_ =	sdelay $0x4  }
0x35: {  	v5 =	vld.idx.msk [tilespmem:v5+s10+$0x0], $0xffff;
	_ =	sdelay $0x4  }
0x36: {  	vm8 =	vlt.f32 v5, v3  }
0x37: {  	v5 =	vsel vm8, $0x80, v1  }
0x38: {  	v4 =	vor.u32 v5, v4  }
0x39: {  	v5 =	vadd.s32 $0x3F, v4;
	_ =	sdelay $0x4  }
0x3a: {  	v5 =	vld.idx.msk [tilespmem:v5+s10+$0x0], $0xffff;
	_ =	sdelay $0x4  }
0x3b: {  	vm9 =	vlt.f32 v5, v3  }
0x3c: {  	v5 =	vsel vm9, $0x40, v1  }
0x3d: {  	v4 =	vadd.s32 v5, v4  }
0x3e: {  	v5 =	vadd.s32 $0x1F, v4;
	_ =	sdelay $0x4  }
0x3f: {  	v5 =	vld.idx.msk [tilespmem:v5+s10+$0x0], $0xffff;
	_ =	sdelay $0x4  }
0x40: {  	vm10 =	vlt.f32 v5, v3  }
0x41: {  	v5 =	vsel vm10, $0x20, v1  }
0x42: {  	v4 =	vadd.s32 v5, v4  }
0x43: {  	v5 =	vadd.s32 $0xF, v4;
	_ =	sdelay $0x4  }
0x44: {  	v5 =	vld.idx.msk [tilespmem:v5+s10+$0x0], $0xffff;
	_ =	sdelay $0x4  }
0x45: {  	vm11 =	vlt.f32 v5, v3  }
0x46: {  	v5 =	vsel vm11, $0x10, v1  }
0x47: {  	v4 =	vadd.s32 v5, v4  }
0x48: {  	v5 =	vadd.s32 $0x7, v4;
	_ =	sdelay $0x4  }
0x49: {  	v5 =	vld.idx.msk [tilespmem:v5+s10+$0x0], $0xffff;
	_ =	sdelay $0x4  }
0x4a: {  	vm12 =	vlt.f32 v5, v3  }
0x4b: {  	v5 =	vsel vm12, $0x8, v1  }
0x4c: {  	v4 =	vadd.s32 v5, v4  }
0x4d: {  	v5 =	vadd.s32 $0x3, v4;
	_ =	sdelay $0x4  }
0x4e: {  	v5 =	vld.idx.msk [tilespmem:v5+s10+$0x0], $0xffff;
	_ =	sdelay $0x4  }
0x4f: {  	vm13 =	vlt.f32 v5, v3  }
0x50: {  	v5 =	vsel vm13, $0x4, v1  }
0x51: {  	v4 =	vadd.s32 v5, v4  }
0x52: {  	v5 =	vadd.s32 $0x1, v4;
	_ =	sdelay $0x4  }
0x53: {  	v5 =	vld.idx.msk [tilespmem:v5+s10+$0x0], $0xffff;
	_ =	sdelay $0x4  }
0x54: {  	vm14 =	vlt.f32 v5, v3  }
0x55: {  	v5 =	vsel vm14, $0x2, v1  }
0x56: {  	v4 =	vadd.s32 v5, v4;
	_ =	sdelay $0x4  }
0x57: {  	v5 =	vld.idx.msk [tilespmem:v4+s10+$0x0], $0xffff;
	_ =	sdelay $0x3  }
0x58: {  	p0 =	sne.s32 s18, $0x7FC0  }
.Ltmp0:
0x59: {  	vm15 =	vlt.f32 v5, v3;
	(pc) =	sbr.rel @p0 .LBB2_2-.Ltmp0, $4  }
0x5a: {  	v3 =	vsel vm15, $0x1, v1  }
0x5b: {  	v3 =	vadd.s32 v3, v4  }
0x5c: {  	v3 =	vmin.u32 v3, $0x3FFF  }
0x5d: {  	s18 =	sadd.s32 $0x40, s18;
	[tilespmem:s19+$0x6000] =	vst v3  }
0x5e: {  	s18 =	simm.s32 $0x0  }
0x5f: {  	s19 =	simm.s32 $0x8000;
	s20 =	simm.s32 $0x6000;
	s21 =	simm.s32 $0x0  }
.LBB2_4:
0x60: {  	s22 =	sshll.u32 s21, $0x7  }
0x61: {  	s22 =	sadd.s32 $0x6000, s22  }
0x62: {  	[tilespmem:s12], [sflag:$0x1] =	stream.indirect.gather [hbm4b:s4+s11], $0x10, s22, s11, $0xb8;
	[tilespmem:$0xE800] =	vst v63  }
0x63: {  	_ =	swait.ge [sflag:s13], $0x800  }
0x64: {  	s23 =	smov.u32 s20;
	s24 =	smov.u32 s19;
	[sflag:s13] =	ssyncset.done $0x0  }
0x65: {  	s25 =	simm.s32 $0x0;
	s22 =	smov.u32 s18;
	[sflag:s13] =	ssyncadd.s32 $0xFFFFF800  }
.LBB2_5:
0x66: {  	v3 =	vmov s25  }
0x67: {  	v3 =	vshll.u32 v3, $0x4  }
0x68: {  	v3 =	vor.u32 v2, v3  }
0x69: {  	v4 =	vor.u32 $0x7, v3;
	_ =	sdelay $0x3  }
0x6a: {  	v5 =	vld [tilespmem:s22+$0x0]  }
0x6b: {  	v4 =	vld.idx.msk [tilespmem:v4+s12+$0x0], $0xffff;
	_ =	sdelay $0x4  }
0x6c: {  	vm0 =	vlt.f32 v4, v5  }
0x6d: {  	v4 =	vsel vm0, $0x8, v1  }
0x6e: {  	v3 =	vor.u32 v3, v4  }
0x6f: {  	v6 =	vor.u32 $0x3, v3;
	_ =	sdelay $0x4  }
0x70: {  	v6 =	vld.idx.msk [tilespmem:v6+s12+$0x0], $0xffff;
	_ =	sdelay $0x4  }
0x71: {  	vm12 =	vlt.f32 v6, v5  }
0x72: {  	v6 =	vsel vm12, $0x4, v1  }
0x73: {  	v7 =	vor.u32 v6, v3  }
0x74: {  	v7 =	vor.u32 $0x1, v7;
	_ =	sdelay $0x4  }
0x75: {  	v7 =	vld.idx.msk [tilespmem:v7+s12+$0x0], $0xffff;
	_ =	sdelay $0x4  }
0x76: {  	vm13 =	vlt.f32 v7, v5  }
0x77: {  	v7 =	vsel vm13, $0x2, v1  }
0x78: {  	v6 =	vor.u32 v6, v7  }
0x79: {  	v3 =	vor.u32 v3, v6;
	_ =	sdelay $0x4  }
0x7a: {  	v3 =	vld.idx.msk [tilespmem:v3+s12+$0x0], $0xffff  }
0x7b: {  	v62 =	vld [tilespmem:s23+$0x0];
	_ =	sdelay $0x3  }
0x7c: {  	vm14 =	vlt.f32 v3, v5  }
0x7d: {  	v63 =	vshll.u32 v62, $0x4;
	v3 =	vsel vm14, $0x1, v1  }
0x7e: {  	p0 =	sne.s32 s25, $0x70;
	v3 =	vor.u32 v3, v63  }
.Ltmp1:
0x7f: {  	v3 =	vor.u32 v4, v3;
	(pc) =	sbr.rel @p0 .LBB2_5-.Ltmp1, $4  }
0x80: {  	v3 =	vor.u32 v6, v3  }
0x81: {  	vm15 =	vlt.s32 v3, $0x3FFFF  }
0x82: {  	s23 =	sadd.s32 $0x10, s23;
	v3 =	vnsel vm15, $0x3FFFF, v3  }
0x83: {  	s22 =	sadd.s32 $0x10, s22;
	s25 =	sadd.s32 $0x10, s25;
	[tilespmem:s24+$0x0] =	vst v3;
	s24 =	sadd.s32 $0x10, s24  }
0x84: {  	s21 =	sadd.s32 $0x1, s21  }
0x85: {  	p0 =	sne.s32 s21, $0x40  }
.Ltmp2:
0x86: {  	_ = 	snop;
	(pc) =	sbr.rel @p0 .LBB2_4-.Ltmp2, $2  }
0x87: {  	_ =	sdelay $0x2  }
0x88: {  	s19 =	sadd.s32 $0x80, s19;
	s20 =	sadd.s32 $0x80, s20;
	s18 =	sadd.s32 $0x80, s18  }
0x89: {  	s18 =	simm.s32 $0x8000  }
0x8a: {  	[tilespmem:s14], [sflag:$0x2] =	stream.indirect.gather [hbm4b:s1+s11], $0x40, s18, s11, $0xb8;
	[tilespmem:$0xE800] =	vst v63  }
0x8b: {  	_ =	swait.ge [sflag:s15], $0x2000  }
0x8c: {  	[sflag:s15] =	ssyncset.done $0x0  }
0x8d: {  	[sflag:s15] =	ssyncadd.s32 $0xFFFFE000  }
0x8e: {  	[hbm4b:s8+s3] =	stream.linear.scatter [tilespmem:s14], [sflag:$0x3], $0x2000, $0x38;
	[tilespmem:$0xE800] =	vst v63  }
0x8f: {  	_ =	swait.ge [sflag:s9], $0x2000  }
0x90: {  	[sflag:s9] =	ssyncset.done $0x0  }
0x91: {  	s30 =	simm.s32 $0x8080;
	[sflag:s9] =	ssyncadd.s32 $0xFFFFE000  }
0x92: {  	[tilespmem:s16], [sflag:$0x2] =	stream.indirect.gather [hbm4b:s1+s11], $0x40, s30, s11, $0xb8;
	[tilespmem:$0xE800] =	vst v63  }
0x93: {  	_ =	swait.ge [sflag:s15], $0x2000  }
0x94: {  	[sflag:s15] =	ssyncset.done $0x0  }
0x95: {  	s31 =	sadd.s32 $0x400, s8;
	[sflag:s15] =	ssyncadd.s32 $0xFFFFE000  }
0x96: {  	[hbm4b:s31+s3] =	stream.linear.scatter [tilespmem:s16], [sflag:$0x3], $0x2000, $0x38;
	[tilespmem:$0xE800] =	vst v63  }
0x97: {  	s20 =	simm.s32 $0x800;
	_ =	swait.ge [sflag:s9], $0x2000  }
0x98: {  	s19 =	simm.s32 $0x100;
	s18 =	sadd.s32 $0x800, s8;
	[sflag:s9] =	ssyncset.done $0x0  }
.LBB2_8:
0x99: {  	s21 =	sadd.s32 $0x8000, s19  }
0x9a: {  	[sflag:s9] =	ssyncadd.s32 $0xFFFFE000;
	s22 =	smov.u32 s20;
	s23 =	sadd.s32 $0x400, s20  }
0x9b: {  	[tilespmem:s14], [sflag:$0x2] =	stream.indirect.gather [hbm4b:s1+s11], $0x40, s21, s11, $0xb8;
	[tilespmem:$0xE800] =	vst v63  }
0x9c: {  	p0 =	sne.s32 s20, $0x7C00;
	_ =	swait.ge [sflag:s15], $0x2000  }
0x9d: {  	[sflag:s15] =	ssyncset.done $0x0  }
0x9e: {  	[sflag:s15] =	ssyncadd.s32 $0xFFFFE000  }
0x9f: {  	[hbm4b:s18+s3] =	stream.linear.scatter [tilespmem:s14], [sflag:$0x3], $0x2000, $0x38;
	[tilespmem:$0xE800] =	vst v63  }
0xa0: {  	_ =	swait.ge [sflag:s9], $0x2000  }
0xa1: {  	[sflag:s9] =	ssyncset.done $0x0  }
0xa2: {  	s19 =	sadd.s32 $0x8080, s19;
	[sflag:s9] =	ssyncadd.s32 $0xFFFFE000  }
0xa3: {  	[tilespmem:s16], [sflag:$0x2] =	stream.indirect.gather [hbm4b:s1+s11], $0x40, s19, s11, $0xb8;
	[tilespmem:$0xE800] =	vst v63  }
0xa4: {  	_ =	swait.ge [sflag:s15], $0x2000  }
.Ltmp3:
0xa5: {  	[sflag:s15] =	ssyncset.done $0x0;
	(pc) =	sbr.rel @p0 .LBB2_8-.Ltmp3, $4  }
0xa6: {  	s19 =	sadd.s32 $0x400, s18;
	[sflag:s15] =	ssyncadd.s32 $0xFFFFE000  }
0xa7: {  	[hbm4b:s19+s3] =	stream.linear.scatter [tilespmem:s16], [sflag:$0x3], $0x2000, $0x38;
	[tilespmem:$0xE800] =	vst v63  }
0xa8: {  	s20 =	smov.u32 s23;
	_ =	swait.ge [sflag:s9], $0x2000  }
0xa9: {  	s18 =	sadd.s32 $0x800, s18;
	s19 =	sshra.s32 s22, $0x2;
	[sflag:s9] =	ssyncset.done $0x0  }
0xaa: {  	s20 =	sadd.s32 $0x8000, s19;
	[sflag:s9] =	ssyncadd.s32 $0xFFFFE000  }
0xab: {  	[tilespmem:s14], [sflag:$0x2] =	stream.indirect.gather [hbm4b:s1+s11], $0x40, s20, s11, $0xb8;
	[tilespmem:$0xE800] =	vst v63  }
0xac: {  	_ =	swait.ge [sflag:s15], $0x2000  }
0xad: {  	[sflag:s15] =	ssyncset.done $0x0  }
0xae: {  	[sflag:s15] =	ssyncadd.s32 $0xFFFFE000  }
0xaf: {  	[hbm4b:s18+s3] =	stream.linear.scatter [tilespmem:s14], [sflag:$0x3], $0x2000, $0x38;
	[tilespmem:$0xE800] =	vst v63  }
0xb0: {  	_ =	swait.ge [sflag:s9], $0x2000  }
0xb1: {  	[sflag:s9] =	ssyncset.done $0x0  }
0xb2: {  	s30 =	sadd.s32 $0x8080, s19;
	[sflag:s9] =	ssyncadd.s32 $0xFFFFE000  }
0xb3: {  	[tilespmem:s16], [sflag:$0x2] =	stream.indirect.gather [hbm4b:s1+s11], $0x40, s30, s11, $0xb8;
	[tilespmem:$0xE800] =	vst v63  }
0xb4: {  	s17 =	sadd.s32 $0x1, s17;
	_ =	swait.ge [sflag:s15], $0x2000  }
0xb5: {  	p0 =	sne.s32 s17, s7;
	[sflag:s15] =	ssyncset.done $0x0  }
.Ltmp4:
0xb6: {  	s31 =	sadd.s32 $0x400, s18;
	[sflag:s15] =	ssyncadd.s32 $0xFFFFE000;
	(pc) =	sbr.rel @p0 .LBB2_1-.Ltmp4, $4  }
0xb7: {  	[hbm4b:s31+s3] =	stream.linear.scatter [tilespmem:s16], [sflag:$0x3], $0x2000, $0x38;
	[tilespmem:$0xE800] =	vst v63  }
0xb8: {  	_ =	swait.ge [sflag:s9], $0x2000  }
0xb9: {  	[sflag:s9] =	ssyncset.done $0x0  }
0xba: {  	[sflag:s9] =	ssyncadd.s32 $0xFFFFE000  }
0xbb: {  	_ =	sfence.sel $0x180000  }
0xbc: {  	[bflag:$0x0] =	sbarrier.arrive $0xFFFF  }
0xbd: {  	p0 =	sne.s32 s2, $0x0;
	_ =	strace $0x9000004A  }
0xbe: {  	s0 =	sadd.s32 @!p0 $0x100000, s0;
	[bflag:$0x2] =	sbarrier.arrive $0xFFFF  }
0xbf: {  	[sflag:s0] =	ssyncadd.tile.s32 @!p0 $0x1;
	_ =	shalt  }
.Lfunc_end2:
_tile_overlayer_lowered:
.L_overlay_start_2:
0xc0: {  	(tag) =	ssettag $0x2  }
0xc1: {  	s0 =	rddreg [dreg:$0x0];
	s2 =	stileid.u32  }
0xc2: {  	s1 =	rddreg [dreg:$0x1];
	p0 =	sne.s32 s2, $0x0  }
0xc3: {  	s3 =	rddreg [dreg:$0x2];
	[bflag:$0x3] =	sbarrier.arrive $0xFFFF;
	s2 =	simm.s32 @!p0 $0x1C03  }
0xc4: {  	[timem:s3], [sflag:s2] =	dma.local @!p0 [hbm:s0], s1  }
0xc5: {  	s0 =	simm.s32 @!p0 $0x3  }
0xc6: {  	_ =	swait.ge @!p0 [sflag:s0], s1  }
0xc7: {  	s1 =	ssub.s32 @!p0 $0x0, s1;
	[sflag:s0] =	ssyncset.done @!p0 $0x0  }
0xc8: {  	[sflag:s0] =	ssyncadd.s32 @!p0 s1  }
0xc9: {  	[bflag:$0x3] =	sbarrier.arrive $0xFFFF  }
0xca: {  	_ =	shalt  }

// kernel: sparse-core-data-format-call.cloned.1.call-start
scs
called_computation_lowered:
.L_overlay_start_0:
0x0: {  	s2 =	sld [smem:$0x3FD9]  }
0x1: {  	s3 =	sld [smem:$0x3FFE];
	_ =	sdelay $0x1  }
0x2: {  	s1 =	srdreg.scid  }
0x3: {  	s0 =	sand.u32 $0x1, s1  }
0x4: {  	s18 =	sshll.u32 s0, $0xA;
	s2 =	sadd.s32 s3, s2  }
0x5: {  	s2 =	sadd.s32 s2, s18  }
0x6: {  	[smem:$0x3FC5] =	sst s2  }
0x7: {  	_ = 	snop  }
0x8: {  	s2 =	sld [smem:$0x3FD0];
	(tm) =	ssettm $0x1  }
0x9: {  	s19 =	sld [smem:$0x3FFB];
	_ =	sdelay $0x3  }
0xa: {  	_ =	strace s19  }
0xb: {  	s3 =	sld [smem:$0x3FFC];
	_ =	sdelay $0x3  }
0xc: {  	_ =	strace s3  }
0xd: {  	s3 =	sld [smem:$0x3FFD];
	_ =	sdelay $0x3  }
0xe: {  	_ =	strace s3  }
0xf: {  	_ =	strace $0x8FFFFFFF  }
0x10: {  	s20 =	sld [smem:$0x3FDB];
	_ =	sdelay $0x1  }
0x11: {  	s4 =	simm.s32 $_scs_section_size  }
0x12: {  	s5 =	simm.s32 $_size__tile_overlayer_lowered;
	s6 =	simm.s32 $_tile_overlayer_lowered  }
0x13: {  	s23 =	simm.s32 $0x1BFF;
	s22 =	sshll.u32 s6, $0x1;
	s3 =	sadd.s32 s4, s20  }
0x14: {  	s7 =	simm.s32 $0x0;
	s21 =	sshll.u32 s5, $0x1;
	s5 =	sadd.s32 s22, s3  }
0x15: {  	[timem:s7], [sflag:s23] =	dma.local [hbm:s5], s21  }
0x16: {  	_ =	swait.ge [sflag:s23], s21  }
0x17: {  	s4 =	ssub.s32 $0x0, s21;
	[sflag:s23] =	ssyncset.done $0x0  }
0x18: {  	[sflag:s23] =	ssyncadd.s32 s4;
	_ =	sdelay $0x1  }
0x19: {  	s24 =	simm.s32 $0x1B8B  }
0x1a: {  	_ =	swait.ge [sflag:s24], $0x1  }
0x1b: {  	[sflag:s24] =	ssyncset.done $0x0  }
0x1c: {  	s26 =	simm.s32 $0x1B8E;
	s25 =	sld [smem:$0x3FFE];
	[sflag:s24] =	ssyncadd.s32 $0xFFFFFFFF  }
0x1d: {  	s27 =	simm.s32 $execute0_lowered;
	[smem:$0x3FD2] =	sst s26  }
0x1e: {  	s5 =	sshll.u32 s27, $0x1;
	_ =	strace $0x8000004C;
	[dreg:$0x1] =	wrdreg $0xFFFFFFFF  }
0x1f: {  	s28 =	simm.s32 $_size_execute0_lowered;
	s3 =	sadd.s32 s3, s5;
	[dreg:$0x0] =	wrdreg $0x0  }
0x20: {  	s5 =	sshll.u32 s28, $0x1;
	[dreg:$0x2] =	wrdreg s3  }
0x21: {  	[dreg:$0x3] =	wrdreg s5  }
0x22: {  	[dreg:$0x4] =	wrdreg $0xC0  }
0x23: {  	_ =	task [dreg:s7], $0x5FFFF  }
0x24: {  	[dreg:$0x1] =	wrdreg $0xFFFFFFFF  }
0x25: {  	[dreg:$0x0] =	wrdreg $0x60  }
0x26: {  	[dreg:$0x2] =	wrdreg s25  }
0x27: {  	[dreg:$0x3] =	wrdreg s2  }
0x28: {  	[dreg:$0x4] =	wrdreg $0x9  }
0x29: {  	_ =	task.clear_ibuf [dreg:s7], $0x5FFFF;
	_ =	strace $0x9000004C  }
0x2a: {  	s29 =	simm.s32 $0x9;
	_ =	strace $0x8000004E  }
0x2b: {  	_ =	swait.ge [sflag:s29], $0x1  }
0x2c: {  	[sflag:s29] =	ssyncadd.s32 $0xFFFFFFFF  }
0x2d: {  	_ =	strace $0x9000004E  }
0x2e: {  	_ =	sfence  }
0x2f: {  	s30 =	sld [smem:$0x0];
	_ =	sdelay $0x2  }
0x30: {  	s31 =	sshll.u32 s1, $0xD;
	s1 =	sshrl.u32 s1, $0x2  }
0x31: {  	s3 =	sand.u32 $0x4000, s31;
	s1 =	sadd.s32 s1, s30  }
0x32: {  	s0 =	sor.u32 s3, s0;
	s1 =	sshll.u32 s1, $0x11  }
0x33: {  	s0 =	sor.u32 s1, s0  }
0x34: {  	s0 =	sadd.s32 $0x8F2B, s0  }
0x35: {  	[sflag:s0] =	ssyncadd.remote.s32 $0x1  }
0x36: {  	_ =	sfence.sel $0xFFFF  }
0x37: {  	[dreg:$0x0] =	wrdreg $0xFFFFFFFF;
	(pc) =	sbr.abs _section_cstart, $3  }
0x38: {  	[dreg:$0x1] =	wrdreg $0xFFFFFFFF  }
0x39: {  	_ =	task.clear_ibuf [dreg:s7], $0x2FFFF;
	_ =	strace $0x9FFFFFFF  }
0x3a: {  	(tm) =	ssettm $0x7FFFFFFF  }
0x3b: {  	_ =	shalt  }
tec
execute0_lowered:
.L_overlay_start_1:
0x0: {  	(tag) =	ssettag $0x1  }
0x1: {  	s0 =	srdreg.scid  }
0x2: {  	s1 =	sshll.u32 s0, $0x4  }
0x3: {  	s4 =	rddreg [dreg:$0x0];
	s0 =	stileid.u32;
	s1 =	sand.u32 $0x10, s1  }
0x4: {  	s2 =	rddreg [dreg:$0x1];
	s7 =	simm.s32 $0x1;
	s1 =	sor.u32 s0, s1  }
0x5: {  	s8 =	simm.s32 $0x2;
	s11 =	simm.s32 $0x0;
	s3 =	sshll.u32 s1, $0x7  }
0x6: {  	s10 =	simm.s32 $0x0;
	s4 =	sadd.s32 $0x210A00, s4;
	s6 =	ssub.s32 $0x40000, s3  }
.Ltmp0:
0x7: {  	s1 =	rddreg [dreg:$0x2];
	s5 =	sand.u32 $0xF80, s6;
	(pc) =	sbr.rel .LBB1_1-.Ltmp0, $4  }
0x8: {  	_ =	strace $0x8000004D;
	s9 =	smov.u32 s3;
	p0 =	sne.s32 s5, $0x0  }
0x9: {  	s6 =	sshrl.u32 s6, $0xC;
	s5 =	simm.s32 $0x1;
	s7 =	simm.s32 @!p0 $0x0  }
0xa: {  	[sflag:s5] =	ssyncpa.u1 $0x0;
	p0 =	por $0x0, $0x0;
	s6 =	sadd.s32 s7, s6  }
0xb: {  	[sflag:s8] =	ssyncpa.u1 $0x0;
	s8 =	simm.s32 $0x200000;
	s7 =	sadd.s32 $0x1, s6  }
.LBB1_4:
0xc: {  	s14 =	sshll.u32 s11, $0x3  }
0xd: {  	s15 =	sand.u32 $0x78, s11;
	s14 =	sand.u32 $0x3FC00, s14  }
0xe: {  	[tilespmem:s13+$0x810 ss:$0x81] =	vst.msk $0xffff, v2;
	s29 =	sand.u32 $0x1F8000, s11;
	s30 =	sand.u32 $0x7, s11;
	s14 =	sor.u32 s15, s14  }
0xf: {  	[tilespmem:s13+$0x1020 ss:$0x81] =	vst.msk $0xffff, v0;
	s11 =	sshll.u32 s30, $0x12;
	s15 =	sadd.s32 s2, s29;
	s14 =	sshrl.u32 s14, $0x3  }
0x10: {  	[tilespmem:s13+$0x0 ss:$0x81] =	vst.msk $0xffff, v1;
	s11 =	sor.u32 $0x400, s11;
	s31 =	sadd.s32 s14, s15  }
0x11: {  	[hbm4b:s31+s11] =	stream.strided.scatter [tilespmem:s12], [sflag:$0x2], $0x2000, s8, s11, $0x20;
	[tilespmem:$0x8080] =	vst v63  }
.LBB1_5:
0x12: {  	s13 =	sadd.s32 $0x1000, s9  }
0x13: {  	p2 =	sgt.s32 s13, $0x3FFFF  }
0x14: {  	s13 =	smov.u32 @p2 s3;
	p2 =	sne.s32 s10, s7  }
.Ltmp1:
0x15: {  	p1 =	slt.u32 s10, $0x2;
	(pc) =	sbr.rel @!p2 .LBB1_6-.Ltmp1, $4  }
0x16: {  	s12 =	simm.s32 @!p1 $0x2  }
0x17: {  	s14 =	sadd.s32 $0x1, s10;
	_ =	swait.ge @!p1 [sflag:s12], $0x2000  }
0x18: {  	s11 =	smov.u32 s9;
	p0 =	por !p0, !p0;
	[sflag:s12] =	ssyncset.done @!p1 $0x0  }
0x19: {  	s10 =	smov.u32 s14;
	s9 =	smov.u32 s13;
	[sflag:s12] =	ssyncadd.s32 @!p1 $0xFFFFE000  }
.LBB1_1:
0x1a: {  	p1 =	sge.u32 s10, s6  }
0x1b: {  	s31 =	sadd.s32 $0xFFFFFFFF, s10;
	s12 =	sxor.u32 @!p1 $0xFFFFFFFF, s10;
	s13 =	sshll.u32 @!p1 s9, $0x4  }
0x1c: {  	s14 =	simm.s32 @!p1 $0x40;
	s12 =	sshll.u32 @!p1 s12, $0xD;
	s13 =	sand.u32 @!p1 $0x3FFFF0, s13  }
0x1d: {  	s15 =	simm.s32 @!p1 $0x80;
	s12 =	sand.u32 @!p1 $0x2000, s12;
	s13 =	sadd.s32 @!p1 s4, s13  }
0x1e: {  	[tilespmem:s12], [sflag:$0x1] =	stream.strided.gather @!p1 [hbm4b:s13+s14], $0x2000, s15, s14, $0x38;
	[tilespmem:$0x8080] =	vst v63  }
0x1f: {  	p1 =	sge.u32 s31, s6  }
.Ltmp2:
0x20: {  	_ = 	snop;
	(pc) =	sbr.rel @p1 .LBB1_5-.Ltmp2, $1  }
0x21: {  	_ =	sdelay $0x3  }
0x22: {  	s12 =	simm.s32 $0x1  }
0x23: {  	_ =	swait.ge [sflag:s5], $0x2000;
	s12 =	simm.s32 @!p0 $0x0  }
0x24: {  	[sflag:s5] =	ssyncset.done $0x0;
	s13 =	sshll.u32 s12, $0xD  }
0x25: {  	[sflag:s5] =	ssyncadd.s32 $0xFFFFE000;
	s16 =	sor.u32 $0x20, s13  }
0x26: {  	s12 =	smul.u32 $0x8100, s12;
	v3 =	vld [tilespmem:s16+$0x10]  }
0x27: {  	s30 =	sand.u32 $0x1, s10;
	v2 =	vld [tilespmem:s16+$0xFFFFFFF0]  }
0x28: {  	s13 =	smul.u32 $0x8100, s30;
	s12 =	sshrl.u32 s12, $0x2;
	v0 =	vld [tilespmem:s16+$0x0]  }
0x29: {  	v1 =	vld [tilespmem:s16+$0xFFFFFFE0];
	s14 =	sor.u32 $0x4000, s12  }
0x2a: {  	s31 =	sshrl.u32 s13, $0x2;
	s13 =	sadd.s32 $0x0, s14  }
0x2b: {  	s15 =	simm.s32 $0x4;
	s16 =	sadd.s32 $0x40, s16;
	s12 =	sor.u32 $0x4000, s31;
	[tilespmem:s13+$0x1830 ss:$0x81] =	vst.msk $0xffff, v3  }
.LBB1_3:
0x2c: {  	v3 =	vld [tilespmem:s16+$0x10];
	p1 =	sne.s32 s15, $0x1FC;
	[tilespmem:s13+$0x810 ss:$0x81] =	vst.msk $0xffff, v2;
	s17 =	smov.u32 s15;
	s15 =	sadd.s32 $0x4, s15  }
.Ltmp3:
0x2d: {  	v2 =	vld [tilespmem:s16+$0xFFFFFFF0];
	[tilespmem:s13+$0x1020 ss:$0x81] =	vst.msk $0xffff, v0;
	(pc) =	sbr.rel @p1 .LBB1_3-.Ltmp3, $4  }
0x2e: {  	v0 =	vld [tilespmem:s16+$0x0];
	[tilespmem:s13+$0x0 ss:$0x81] =	vst.msk $0xffff, v1  }
0x2f: {  	s13 =	sshra.s32 s17, $0x2;
	v1 =	vld [tilespmem:s16+$0xFFFFFFE0]  }
0x30: {  	s13 =	sadd.s32 s13, s14  }
0x31: {  	s16 =	sadd.s32 $0x40, s16;
	[tilespmem:s13+$0x1830 ss:$0x81] =	vst.msk $0xffff, v3  }
.Ltmp4:
0x32: {  	_ = 	snop;
	(pc) =	sbr.rel .LBB1_4-.Ltmp4, $1  }
0x33: {  	_ =	sdelay $0x3  }
.LBB1_6:
0x34: {  	_ =	sfence.sel $0x180000  }
0x35: {  	s2 =	simm.s32 $0x1;
	[bflag:$0x0] =	sbarrier.arrive $0xFFFF  }
0x36: {  	s31 =	simm.s32 $0x2;
	[sflag:s2] =	ssyncpa.u1 $0x1  }
0x37: {  	[sflag:s31] =	ssyncpa.u1 $0x1  }
0x38: {  	p0 =	sne.s32 s0, $0x0;
	_ =	strace $0x9000004D  }
0x39: {  	s0 =	sadd.s32 @!p0 $0x100000, s1;
	[bflag:$0x2] =	sbarrier.arrive $0xFFFF  }
0x3a: {  	[sflag:s0] =	ssyncadd.tile.s32 @!p0 $0x1;
	_ =	shalt  }
.Lfunc_end1:
_tile_overlayer_lowered:
.L_overlay_start_2:
0x3b: {  	(tag) =	ssettag $0x2  }
0x3c: {  	s0 =	rddreg [dreg:$0x0];
	s2 =	stileid.u32  }
0x3d: {  	s1 =	rddreg [dreg:$0x1];
	p0 =	sne.s32 s2, $0x0  }
0x3e: {  	s3 =	rddreg [dreg:$0x2];
	[bflag:$0x3] =	sbarrier.arrive $0xFFFF;
	s2 =	simm.s32 @!p0 $0x1C01  }
0x3f: {  	[timem:s3], [sflag:s2] =	dma.local @!p0 [hbm:s0], s1  }
0x40: {  	s0 =	simm.s32 @!p0 $0x1  }
0x41: {  	_ =	swait.ge @!p0 [sflag:s0], s1  }
0x42: {  	s1 =	ssub.s32 @!p0 $0x0, s1;
	[sflag:s0] =	ssyncset.done @!p0 $0x0  }
0x43: {  	[sflag:s0] =	ssyncadd.s32 @!p0 s1  }
0x44: {  	[bflag:$0x3] =	sbarrier.arrive $0xFFFF  }
0x45: {  	_ =	shalt  }

</sc_bundles>
